<compile_context>
chip_gen: v7x
topology: tpu7x:2x2x1
jax: 0.10.2.dev20260603
libtpu: 0.0.44.dev20260713+nightly
codegen_flags: <defaults>
</compile_context>

<pallas_src>
import jax
import jax.numpy as jnp
from jax import lax
from jax.experimental import pallas as pl
from jax.experimental.pallas import tpu as pltpu
from jax.experimental.pallas import tpu_sc as plsc

N = 10
M = 64
KPTS = 16
LANES = 16
GROUPS = M // LANES
TASKS = N * GROUPS
NW = 16
GWORDS = KPTS * 3 * LANES
KTOT = GROUPS * GWORDS
XOFF = KTOT
XCOPY = 32


def _sc_body(packed_hbm, out_hbm, xv, kv, ov, sem0):
    w = lax.axis_index("s")
    g = w % GROUPS
    i0 = w // GROUPS

    def compute(i):
        xr = xv[pl.ds(i * 3, LANES)]
        x0 = jnp.full((LANES,), xr[0], jnp.float32)
        x1 = jnp.full((LANES,), xr[1], jnp.float32)
        x2 = jnp.full((LANES,), xr[2], jnp.float32)
        acc = None
        for l in range(KPTS):
            d0 = x0 - kv[pl.ds((l * 3 + 0) * LANES, LANES)]
            d1 = x1 - kv[pl.ds((l * 3 + 1) * LANES, LANES)]
            d2 = x2 - kv[pl.ds((l * 3 + 2) * LANES, LANES)]
            e = jnp.exp(-(d0 * d0 + d1 * d1 + d2 * d2))
            acc = e if acc is None else acc + e
        ov[...] = acc * (1.0 / 128.0)
        pltpu.sync_copy(ov, out_hbm.at[i, pl.ds(g * LANES, LANES)])

    cx = pltpu.make_async_copy(packed_hbm.at[pl.ds(XOFF, XCOPY)],
                               xv.at[pl.ds(0, XCOPY)], sem0)
    cx.start()
    ck = pltpu.make_async_copy(packed_hbm.at[pl.ds(g * GWORDS, GWORDS)],
                               kv, sem0)
    ck.start()
    cx.wait()
    ck.wait()
    compute(i0)
    compute(i0 + GROUPS)

    @pl.when(w < TASKS - 2 * NW)
    def _third():
        compute(i0 + 2 * GROUPS)


@jax.jit
def _run(normal, learnable_kernel):
    kt = (learnable_kernel.reshape(GROUPS, LANES, KPTS, 3)
          .transpose(0, 2, 3, 1)
          .reshape(KTOT))
    packed = jnp.concatenate([kt, normal[:N].reshape(N * 3),
                              jnp.zeros(2, jnp.float32)])
    sc_call = pl.kernel(
        _sc_body,
        out_type=jax.ShapeDtypeStruct((N, M), jnp.float32),
        mesh=plsc.VectorSubcoreMesh(core_axis_name="c", subcore_axis_name="s",
                                    num_cores=1),
        scratch_types=[
            pltpu.VMEM((48,), jnp.float32),
            pltpu.VMEM((GWORDS,), jnp.float32),
            pltpu.VMEM((LANES,), jnp.float32),
            pltpu.SemaphoreType.DMA,
        ],
    )
    return sc_call(packed)


def kernel(normal, neighbour, learnable_kernel):
    del neighbour
    return _run(normal, learnable_kernel)

# --- scband reference (transcript-rebuilt; emitter-appended) ---
"""Pipeline reference for scband-kernel-correlation-80985903334294 (READ-ONLY COPY).

The authoritative reference and input builder live on the scoring server;
editing this copy changes nothing except your own understanding.
"""

import jax, jax.numpy as jnp
import numpy as np

N_GLOBAL = 10  # module-level constant `n = 10` in the original code
K = 16


def setup_inputs(seed: int = 0) -> dict:
    key = jax.random.key(seed)
    k1, k2, k3 = jax.random.split(key, 3)
    normal = jax.random.normal(k1, (10000, 3), dtype=jnp.float32)
    neighbour = jax.random.randint(k2, (10000, 3), 0, 10000, dtype=jnp.int64)
    # learned parameter: nn.Parameter(torch.randn(64, k, 3))
    learnable_kernel = jax.random.normal(k3, (64, K, 3), dtype=jnp.float32)
    return {"normal": normal, "neighbour": neighbour, "learnable_kernel": learnable_kernel}


def reference(normal, neighbour, learnable_kernel):
    sigma = 1.0
    n = N_GLOBAL
    k = learnable_kernel.shape[1]
    # The original code gathers neighbour indices (a, b, c) and normal_a/b/c,
    # but those values never enter the computation -- only normal_i is used.
    # Faithful math: final[i, m] = (sum_l exp(-||normal_i - kernel[m,l]||^2) / (2*sigma^2)) / (k*4)
    # (exercise the dead gather for faithfulness of memory traffic)
    _ = jnp.take(normal, neighbour[:n].reshape(-1), axis=0)
    normal_i = normal[:n]  # [n, 3]
    diff = normal_i[:, None, None, :] - learnable_kernel[None, :, :, :]  # [n, 64, k, 3]
    norm_sq = jnp.sum(diff * diff, axis=-1)  # [n, 64, k]
    vals = jnp.exp(-norm_sq) / (2.0 * sigma * sigma)  # [n, 64, k]
    final_array = jnp.sum(vals, axis=-1) / (k * 4)  # [n, 64]
    return final_array.astype(jnp.float32)

if __name__ == "__main__":
    import jax
    _d = setup_inputs()
    print(jax.jit(kernel)(*tuple(_d.values())))

</pallas_src>

<mosaic_0001>
#map = affine_map<(d0, d1) -> (0)>
#map1 = affine_map<(d0, d1) -> (0, 0)>
module attributes {stable_mosaic.version = 14 : i64} {
  func.func @_sc_body(%arg0: i32, %arg1: i32, %arg2: memref<3104xf32, #tpu.memory_space<hbm>>, %arg3: memref<10x64xf32, #tpu.memory_space<hbm>>, %arg4: memref<48xf32, #tpu.memory_space<vmem>>, %arg5: memref<768xf32, #tpu.memory_space<vmem>>, %arg6: memref<16xf32, #tpu.memory_space<vmem>>, %arg7: memref<!tpu.dma_semaphore, #tpu.memory_space<semaphore_mem>>) attributes {dimension_semantics = [#tpu.dimension_semantics<core_parallel>, #tpu.dimension_semantics<subcore_parallel>], iteration_bounds = array<i64: 1, 16>, scalar_prefetch = 0 : i64, scratch_operands = 4 : i64, tpu.core_type = #tpu.core_type<sc_vector_subcore>, window_params = [{transform_indices = #map}, {transform_indices = #map1}]} {
    %jit3A = arith.constant 4 : i32
    %eq3A = arith.constant 0 : i32
    %eq3A_0 = arith.cmpi eq, %jit3A, %eq3A : i32
    %jit3A_1 = arith.constant 1 : i32
    %select_n3A = arith.select %eq3A_0, %jit3A_1, %jit3A : i32
    %rem3A = arith.remsi %arg1, %select_n3A : i32
    %ne3A = arith.constant 0 : i32
    %ne3A_2 = arith.cmpi ne, %rem3A, %ne3A : i32
    %lt3A = arith.constant 0 : i32
    %lt3A_3 = arith.cmpi slt, %rem3A, %lt3A : i32
    %lt3A_4 = arith.constant 0 : i32
    %lt3A_5 = arith.cmpi slt, %select_n3A, %lt3A_4 : i32
    %ne3A_6 = arith.xori %lt3A_3, %lt3A_5 : i1
    %and3A = arith.andi %ne3A_6, %ne3A_2 : i1
    %add3A = arith.addi %rem3A, %select_n3A : i32
    %select_n3A_7 = arith.select %and3A, %add3A, %rem3A : i32
    %jit3A_8 = arith.constant 4 : i32
    %div3A = arith.divsi %arg1, %jit3A_8 : i32
    %sign3A = arith.constant 0 : i32
    %sign3A_9 = arith.cmpi sgt, %arg1, %sign3A : i32
    %sign3A_10 = arith.extui %sign3A_9 : i1 to i32
    %sign3A_11 = arith.constant 0 : i32
    %sign3A_12 = arith.cmpi slt, %arg1, %sign3A_11 : i32
    %sign3A_13 = arith.extui %sign3A_12 : i1 to i32
    %sign3A_14 = arith.subi %sign3A_10, %sign3A_13 : i32
    %sign3A_15 = arith.constant 0 : i32
    %sign3A_16 = arith.cmpi sgt, %jit3A_8, %sign3A_15 : i32
    %sign3A_17 = arith.extui %sign3A_16 : i1 to i32
    %sign3A_18 = arith.constant 0 : i32
    %sign3A_19 = arith.cmpi slt, %jit3A_8, %sign3A_18 : i32
    %sign3A_20 = arith.extui %sign3A_19 : i1 to i32
    %sign3A_21 = arith.subi %sign3A_17, %sign3A_20 : i32
    %ne3A_22 = arith.cmpi ne, %sign3A_14, %sign3A_21 : i32
    %rem3A_23 = arith.remsi %arg1, %jit3A_8 : i32
    %ne3A_24 = arith.constant 0 : i32
    %ne3A_25 = arith.cmpi ne, %rem3A_23, %ne3A_24 : i32
    %and3A_26 = arith.andi %ne3A_22, %ne3A_25 : i1
    %sub3A = arith.constant 1 : i32
    %sub3A_27 = arith.subi %div3A, %sub3A : i32
    %select_n3A_28 = arith.select %and3A_26, %sub3A_27, %div3A : i32
    %dma_start3A = arith.constant 0 : i32
    %dma_start3A_29 = tpu.memref_slice %arg4[%dma_start3A] : memref<48xf32, #tpu.memory_space<vmem>> -> memref<32xf32, #tpu.memory_space<vmem>>
    %dma_start3A_30 = arith.constant 3072 : i32
    %dma_start3A_31 = tpu.memref_slice %arg2[%dma_start3A_30] : memref<3104xf32, #tpu.memory_space<hbm>> -> memref<32xf32, #tpu.memory_space<hbm>>
    %dma_start3A_32 = arith.constant 0 : i32
    %dma_start3A_33 = tpu.memref_slice %arg4[%dma_start3A_32] : memref<48xf32, #tpu.memory_space<vmem>> -> memref<32xf32, #tpu.memory_space<vmem>>
    %dma_start3A_34 = arith.constant 3072 : i32
    %dma_start3A_35 = tpu.memref_slice %arg2[%dma_start3A_34] : memref<3104xf32, #tpu.memory_space<hbm>> -> memref<32xf32, #tpu.memory_space<hbm>>
    tpu.enqueue_dma source(%dma_start3A_35 : memref<32xf32, #tpu.memory_space<hbm>>) target(%dma_start3A_33 : memref<32xf32, #tpu.memory_space<vmem>>) target_semaphore(%arg7 : memref<!tpu.dma_semaphore, #tpu.memory_space<semaphore_mem>>)
    %mul3A = arith.constant 768 : i32
    %mul3A_36 = arith.muli %select_n3A_7, %mul3A : i32
    %dma_start3A_37 = tpu.memref_slice %arg2[%mul3A_36] : memref<3104xf32, #tpu.memory_space<hbm>> -> memref<768xf32, #tpu.memory_space<hbm>>
    %dma_start3A_38 = tpu.memref_slice %arg2[%mul3A_36] : memref<3104xf32, #tpu.memory_space<hbm>> -> memref<768xf32, #tpu.memory_space<hbm>>
    tpu.enqueue_dma source(%dma_start3A_38 : memref<768xf32, #tpu.memory_space<hbm>>) target(%arg5 : memref<768xf32, #tpu.memory_space<vmem>>) target_semaphore(%arg7 : memref<!tpu.dma_semaphore, #tpu.memory_space<semaphore_mem>>)
    %dma_wait3A = arith.constant 0 : i32
    %dma_wait3A_39 = tpu.memref_slice %arg4[%dma_wait3A] : memref<48xf32, #tpu.memory_space<vmem>> -> memref<32xf32, #tpu.memory_space<vmem>>
    %dma_wait3A_40 = arith.constant 3072 : i32
    %dma_wait3A_41 = tpu.memref_slice %arg2[%dma_wait3A_40] : memref<3104xf32, #tpu.memory_space<hbm>> -> memref<32xf32, #tpu.memory_space<hbm>>
    %dma_wait3A_42 = arith.constant 0 : i32
    %dma_wait3A_43 = tpu.memref_slice %arg4[%dma_wait3A_42] : memref<48xf32, #tpu.memory_space<vmem>> -> memref<32xf32, #tpu.memory_space<vmem>>
    %dma_wait3A_44 = arith.constant 3072 : i32
    %dma_wait3A_45 = tpu.memref_slice %arg2[%dma_wait3A_44] : memref<3104xf32, #tpu.memory_space<hbm>> -> memref<32xf32, #tpu.memory_space<hbm>>
    tpu.wait_dma2 semaphore(%arg7 : memref<!tpu.dma_semaphore, #tpu.memory_space<semaphore_mem>>) src(%dma_wait3A_45 : memref<32xf32, #tpu.memory_space<hbm>>) dst(%dma_wait3A_43 : memref<32xf32, #tpu.memory_space<vmem>>)
    %dma_wait3A_46 = tpu.memref_slice %arg2[%mul3A_36] : memref<3104xf32, #tpu.memory_space<hbm>> -> memref<768xf32, #tpu.memory_space<hbm>>
    %dma_wait3A_47 = tpu.memref_slice %arg2[%mul3A_36] : memref<3104xf32, #tpu.memory_space<hbm>> -> memref<768xf32, #tpu.memory_space<hbm>>
    tpu.wait_dma2 semaphore(%arg7 : memref<!tpu.dma_semaphore, #tpu.memory_space<semaphore_mem>>) src(%dma_wait3A_47 : memref<768xf32, #tpu.memory_space<hbm>>) dst(%arg5 : memref<768xf32, #tpu.memory_space<vmem>>)
    %mul3A_48 = arith.constant 3 : i32
    %mul3A_49 = arith.muli %select_n3A_28, %mul3A_48 : i32
    %get3A = arith.index_cast %mul3A_49 : i32 to index
    %get3A_50 = tpu.vector_load %arg4[%get3A] {strides = array<i32>} : memref<48xf32, #tpu.memory_space<vmem>>, vector<16xf32>,
    %get3A_51 = vector.shape_cast %get3A_50 : vector<16xf32> to vector<16xf32>
    %slice3A = vector.extract_strided_slice %get3A_51 {offsets = [0], sizes = [1], strides = [1]} : vector<16xf32> to vector<1xf32>
    %squeeze3A = vector.extract %slice3A[0] : f32 from vector<1xf32>
    %broadcast_in_dim3A = vector.broadcast %squeeze3A : f32 to vector<16xf32>
    %slice3A_52 = vector.extract_strided_slice %get3A_51 {offsets = [1], sizes = [1], strides = [1]} : vector<16xf32> to vector<1xf32>
    %squeeze3A_53 = vector.extract %slice3A_52[0] : f32 from vector<1xf32>
    %broadcast_in_dim3A_54 = vector.broadcast %squeeze3A_53 : f32 to vector<16xf32>
    %slice3A_55 = vector.extract_strided_slice %get3A_51 {offsets = [2], sizes = [1], strides = [1]} : vector<16xf32> to vector<1xf32>
    %squeeze3A_56 = vector.extract %slice3A_55[0] : f32 from vector<1xf32>
    %broadcast_in_dim3A_57 = vector.broadcast %squeeze3A_56 : f32 to vector<16xf32>
    %get3A_58 = arith.constant 0 : index
    %get3A_59 = tpu.vector_load %arg5[%get3A_58] {strides = array<i32>} : memref<768xf32, #tpu.memory_space<vmem>>, vector<16xf32>,
    %get3A_60 = vector.shape_cast %get3A_59 : vector<16xf32> to vector<16xf32>
    %sub3A_61 = arith.subf %broadcast_in_dim3A, %get3A_60 : vector<16xf32>
    %get3A_62 = arith.constant 16 : index
    %get3A_63 = tpu.vector_load %arg5[%get3A_62] {strides = array<i32>} : memref<768xf32, #tpu.memory_space<vmem>>, vector<16xf32>,
    %get3A_64 = vector.shape_cast %get3A_63 : vector<16xf32> to vector<16xf32>
    %sub3A_65 = arith.subf %broadcast_in_dim3A_54, %get3A_64 : vector<16xf32>
    %get3A_66 = arith.constant 32 : index
    %get3A_67 = tpu.vector_load %arg5[%get3A_66] {strides = array<i32>} : memref<768xf32, #tpu.memory_space<vmem>>, vector<16xf32>,
    %get3A_68 = vector.shape_cast %get3A_67 : vector<16xf32> to vector<16xf32>
    %sub3A_69 = arith.subf %broadcast_in_dim3A_57, %get3A_68 : vector<16xf32>
    %mul3A_70 = arith.mulf %sub3A_61, %sub3A_61 : vector<16xf32>
    %mul3A_71 = arith.mulf %sub3A_65, %sub3A_65 : vector<16xf32>
    %add3A_72 = arith.addf %mul3A_70, %mul3A_71 : vector<16xf32>
    %mul3A_73 = arith.mulf %sub3A_69, %sub3A_69 : vector<16xf32>
    %add3A_74 = arith.addf %add3A_72, %mul3A_73 : vector<16xf32>
    %neg3A = arith.constant 0.000000e+00 : f32
    %neg3A_75 = vector.broadcast %neg3A : f32 to vector<16xf32>
    %neg3A_76 = arith.subf %neg3A_75, %add3A_74 : vector<16xf32>
    %exp3A = math.exp %neg3A_76 : vector<16xf32>
    %get3A_77 = arith.constant 48 : index
    %get3A_78 = tpu.vector_load %arg5[%get3A_77] {strides = array<i32>} : memref<768xf32, #tpu.memory_space<vmem>>, vector<16xf32>,
    %get3A_79 = vector.shape_cast %get3A_78 : vector<16xf32> to vector<16xf32>
    %sub3A_80 = arith.subf %broadcast_in_dim3A, %get3A_79 : vector<16xf32>
    %get3A_81 = arith.constant 64 : index
    %get3A_82 = tpu.vector_load %arg5[%get3A_81] {strides = array<i32>} : memref<768xf32, #tpu.memory_space<vmem>>, vector<16xf32>,
    %get3A_83 = vector.shape_cast %get3A_82 : vector<16xf32> to vector<16xf32>
    %sub3A_84 = arith.subf %broadcast_in_dim3A_54, %get3A_83 : vector<16xf32>
    %get3A_85 = arith.constant 80 : index
    %get3A_86 = tpu.vector_load %arg5[%get3A_85] {strides = array<i32>} : memref<768xf32, #tpu.memory_space<vmem>>, vector<16xf32>,
    %get3A_87 = vector.shape_cast %get3A_86 : vector<16xf32> to vector<16xf32>
    %sub3A_88 = arith.subf %broadcast_in_dim3A_57, %get3A_87 : vector<16xf32>
    %mul3A_89 = arith.mulf %sub3A_80, %sub3A_80 : vector<16xf32>
    %mul3A_90 = arith.mulf %sub3A_84, %sub3A_84 : vector<16xf32>
    %add3A_91 = arith.addf %mul3A_89, %mul3A_90 : vector<16xf32>
    %mul3A_92 = arith.mulf %sub3A_88, %sub3A_88 : vector<16xf32>
    %add3A_93 = arith.addf %add3A_91, %mul3A_92 : vector<16xf32>
    %neg3A_94 = arith.constant 0.000000e+00 : f32
    %neg3A_95 = vector.broadcast %neg3A_94 : f32 to vector<16xf32>
    %neg3A_96 = arith.subf %neg3A_95, %add3A_93 : vector<16xf32>
    %exp3A_97 = math.exp %neg3A_96 : vector<16xf32>
    %add3A_98 = arith.addf %exp3A, %exp3A_97 : vector<16xf32>
    %get3A_99 = arith.constant 96 : index
    %get3A_100 = tpu.vector_load %arg5[%get3A_99] {strides = array<i32>} : memref<768xf32, #tpu.memory_space<vmem>>, vector<16xf32>,
    %get3A_101 = vector.shape_cast %get3A_100 : vector<16xf32> to vector<16xf32>
    %sub3A_102 = arith.subf %broadcast_in_dim3A, %get3A_101 : vector<16xf32>
    %get3A_103 = arith.constant 112 : index
    %get3A_104 = tpu.vector_load %arg5[%get3A_103] {strides = array<i32>} : memref<768xf32, #tpu.memory_space<vmem>>, vector<16xf32>,
    %get3A_105 = vector.shape_cast %get3A_104 : vector<16xf32> to vector<16xf32>
    %sub3A_106 = arith.subf %broadcast_in_dim3A_54, %get3A_105 : vector<16xf32>
    %get3A_107 = arith.constant 128 : index
    %get3A_108 = tpu.vector_load %arg5[%get3A_107] {strides = array<i32>} : memref<768xf32, #tpu.memory_space<vmem>>, vector<16xf32>,
    %get3A_109 = vector.shape_cast %get3A_108 : vector<16xf32> to vector<16xf32>
    %sub3A_110 = arith.subf %broadcast_in_dim3A_57, %get3A_109 : vector<16xf32>
    %mul3A_111 = arith.mulf %sub3A_102, %sub3A_102 : vector<16xf32>
    %mul3A_112 = arith.mulf %sub3A_106, %sub3A_106 : vector<16xf32>
    %add3A_113 = arith.addf %mul3A_111, %mul3A_112 : vector<16xf32>
    %mul3A_114 = arith.mulf %sub3A_110, %sub3A_110 : vector<16xf32>
    %add3A_115 = arith.addf %add3A_113, %mul3A_114 : vector<16xf32>
    %neg3A_116 = arith.constant 0.000000e+00 : f32
    %neg3A_117 = vector.broadcast %neg3A_116 : f32 to vector<16xf32>
    %neg3A_118 = arith.subf %neg3A_117, %add3A_115 : vector<16xf32>
    %exp3A_119 = math.exp %neg3A_118 : vector<16xf32>
    %add3A_120 = arith.addf %add3A_98, %exp3A_119 : vector<16xf32>
    %get3A_121 = arith.constant 144 : index
    %get3A_122 = tpu.vector_load %arg5[%get3A_121] {strides = array<i32>} : memref<768xf32, #tpu.memory_space<vmem>>, vector<16xf32>,
    %get3A_123 = vector.shape_cast %get3A_122 : vector<16xf32> to vector<16xf32>
    %sub3A_124 = arith.subf %broadcast_in_dim3A, %get3A_123 : vector<16xf32>
    %get3A_125 = arith.constant 160 : index
    %get3A_126 = tpu.vector_load %arg5[%get3A_125] {strides = array<i32>} : memref<768xf32, #tpu.memory_space<vmem>>, vector<16xf32>,
    %get3A_127 = vector.shape_cast %get3A_126 : vector<16xf32> to vector<16xf32>
    %sub3A_128 = arith.subf %broadcast_in_dim3A_54, %get3A_127 : vector<16xf32>
    %get3A_129 = arith.constant 176 : index
    %get3A_130 = tpu.vector_load %arg5[%get3A_129] {strides = array<i32>} : memref<768xf32, #tpu.memory_space<vmem>>, vector<16xf32>,
    %get3A_131 = vector.shape_cast %get3A_130 : vector<16xf32> to vector<16xf32>
    %sub3A_132 = arith.subf %broadcast_in_dim3A_57, %get3A_131 : vector<16xf32>
    %mul3A_133 = arith.mulf %sub3A_124, %sub3A_124 : vector<16xf32>
    %mul3A_134 = arith.mulf %sub3A_128, %sub3A_128 : vector<16xf32>
    %add3A_135 = arith.addf %mul3A_133, %mul3A_134 : vector<16xf32>
    %mul3A_136 = arith.mulf %sub3A_132, %sub3A_132 : vector<16xf32>
    %add3A_137 = arith.addf %add3A_135, %mul3A_136 : vector<16xf32>
    %neg3A_138 = arith.constant 0.000000e+00 : f32
    %neg3A_139 = vector.broadcast %neg3A_138 : f32 to vector<16xf32>
    %neg3A_140 = arith.subf %neg3A_139, %add3A_137 : vector<16xf32>
    %exp3A_141 = math.exp %neg3A_140 : vector<16xf32>
    %add3A_142 = arith.addf %add3A_120, %exp3A_141 : vector<16xf32>
    %get3A_143 = arith.constant 192 : index
    %get3A_144 = tpu.vector_load %arg5[%get3A_143] {strides = array<i32>} : memref<768xf32, #tpu.memory_space<vmem>>, vector<16xf32>,
    %get3A_145 = vector.shape_cast %get3A_144 : vector<16xf32> to vector<16xf32>
    %sub3A_146 = arith.subf %broadcast_in_dim3A, %get3A_145 : vector<16xf32>
    %get3A_147 = arith.constant 208 : index
    %get3A_148 = tpu.vector_load %arg5[%get3A_147] {strides = array<i32>} : memref<768xf32, #tpu.memory_space<vmem>>, vector<16xf32>,
    %get3A_149 = vector.shape_cast %get3A_148 : vector<16xf32> to vector<16xf32>
    %sub3A_150 = arith.subf %broadcast_in_dim3A_54, %get3A_149 : vector<16xf32>
    %get3A_151 = arith.constant 224 : index
    %get3A_152 = tpu.vector_load %arg5[%get3A_151] {strides = array<i32>} : memref<768xf32, #tpu.memory_space<vmem>>, vector<16xf32>,
    %get3A_153 = vector.shape_cast %get3A_152 : vector<16xf32> to vector<16xf32>
    %sub3A_154 = arith.subf %broadcast_in_dim3A_57, %get3A_153 : vector<16xf32>
    %mul3A_155 = arith.mulf %sub3A_146, %sub3A_146 : vector<16xf32>
    %mul3A_156 = arith.mulf %sub3A_150, %sub3A_150 : vector<16xf32>
    %add3A_157 = arith.addf %mul3A_155, %mul3A_156 : vector<16xf32>
    %mul3A_158 = arith.mulf %sub3A_154, %sub3A_154 : vector<16xf32>
    %add3A_159 = arith.addf %add3A_157, %mul3A_158 : vector<16xf32>
    %neg3A_160 = arith.constant 0.000000e+00 : f32
    %neg3A_161 = vector.broadcast %neg3A_160 : f32 to vector<16xf32>
    %neg3A_162 = arith.subf %neg3A_161, %add3A_159 : vector<16xf32>
    %exp3A_163 = math.exp %neg3A_162 : vector<16xf32>
    %add3A_164 = arith.addf %add3A_142, %exp3A_163 : vector<16xf32>
    %get3A_165 = arith.constant 240 : index
    %get3A_166 = tpu.vector_load %arg5[%get3A_165] {strides = array<i32>} : memref<768xf32, #tpu.memory_space<vmem>>, vector<16xf32>,
    %get3A_167 = vector.shape_cast %get3A_166 : vector<16xf32> to vector<16xf32>
    %sub3A_168 = arith.subf %broadcast_in_dim3A, %get3A_167 : vector<16xf32>
    %get3A_169 = arith.constant 256 : index
    %get3A_170 = tpu.vector_load %arg5[%get3A_169] {strides = array<i32>} : memref<768xf32, #tpu.memory_space<vmem>>, vector<16xf32>,
    %get3A_171 = vector.shape_cast %get3A_170 : vector<16xf32> to vector<16xf32>
    %sub3A_172 = arith.subf %broadcast_in_dim3A_54, %get3A_171 : vector<16xf32>
    %get3A_173 = arith.constant 272 : index
    %get3A_174 = tpu.vector_load %arg5[%get3A_173] {strides = array<i32>} : memref<768xf32, #tpu.memory_space<vmem>>, vector<16xf32>,
    %get3A_175 = vector.shape_cast %get3A_174 : vector<16xf32> to vector<16xf32>
    %sub3A_176 = arith.subf %broadcast_in_dim3A_57, %get3A_175 : vector<16xf32>
    %mul3A_177 = arith.mulf %sub3A_168, %sub3A_168 : vector<16xf32>
    %mul3A_178 = arith.mulf %sub3A_172, %sub3A_172 : vector<16xf32>
    %add3A_179 = arith.addf %mul3A_177, %mul3A_178 : vector<16xf32>
    %mul3A_180 = arith.mulf %sub3A_176, %sub3A_176 : vector<16xf32>
    %add3A_181 = arith.addf %add3A_179, %mul3A_180 : vector<16xf32>
    %neg3A_182 = arith.constant 0.000000e+00 : f32
    %neg3A_183 = vector.broadcast %neg3A_182 : f32 to vector<16xf32>
    %neg3A_184 = arith.subf %neg3A_183, %add3A_181 : vector<16xf32>
    %exp3A_185 = math.exp %neg3A_184 : vector<16xf32>
    %add3A_186 = arith.addf %add3A_164, %exp3A_185 : vector<16xf32>
    %get3A_187 = arith.constant 288 : index
    %get3A_188 = tpu.vector_load %arg5[%get3A_187] {strides = array<i32>} : memref<768xf32, #tpu.memory_space<vmem>>, vector<16xf32>,
    %get3A_189 = vector.shape_cast %get3A_188 : vector<16xf32> to vector<16xf32>
    %sub3A_190 = arith.subf %broadcast_in_dim3A, %get3A_189 : vector<16xf32>
    %get3A_191 = arith.constant 304 : index
    %get3A_192 = tpu.vector_load %arg5[%get3A_191] {strides = array<i32>} : memref<768xf32, #tpu.memory_space<vmem>>, vector<16xf32>,
    %get3A_193 = vector.shape_cast %get3A_192 : vector<16xf32> to vector<16xf32>
    %sub3A_194 = arith.subf %broadcast_in_dim3A_54, %get3A_193 : vector<16xf32>
    %get3A_195 = arith.constant 320 : index
    %get3A_196 = tpu.vector_load %arg5[%get3A_195] {strides = array<i32>} : memref<768xf32, #tpu.memory_space<vmem>>, vector<16xf32>,
    %get3A_197 = vector.shape_cast %get3A_196 : vector<16xf32> to vector<16xf32>
    %sub3A_198 = arith.subf %broadcast_in_dim3A_57, %get3A_197 : vector<16xf32>
    %mul3A_199 = arith.mulf %sub3A_190, %sub3A_190 : vector<16xf32>
    %mul3A_200 = arith.mulf %sub3A_194, %sub3A_194 : vector<16xf32>
    %add3A_201 = arith.addf %mul3A_199, %mul3A_200 : vector<16xf32>
    %mul3A_202 = arith.mulf %sub3A_198, %sub3A_198 : vector<16xf32>
    %add3A_203 = arith.addf %add3A_201, %mul3A_202 : vector<16xf32>
    %neg3A_204 = arith.constant 0.000000e+00 : f32
    %neg3A_205 = vector.broadcast %neg3A_204 : f32 to vector<16xf32>
    %neg3A_206 = arith.subf %neg3A_205, %add3A_203 : vector<16xf32>
    %exp3A_207 = math.exp %neg3A_206 : vector<16xf32>
    %add3A_208 = arith.addf %add3A_186, %exp3A_207 : vector<16xf32>
    %get3A_209 = arith.constant 336 : index
    %get3A_210 = tpu.vector_load %arg5[%get3A_209] {strides = array<i32>} : memref<768xf32, #tpu.memory_space<vmem>>, vector<16xf32>,
    %get3A_211 = vector.shape_cast %get3A_210 : vector<16xf32> to vector<16xf32>
    %sub3A_212 = arith.subf %broadcast_in_dim3A, %get3A_211 : vector<16xf32>
    %get3A_213 = arith.constant 352 : index
    %get3A_214 = tpu.vector_load %arg5[%get3A_213] {strides = array<i32>} : memref<768xf32, #tpu.memory_space<vmem>>, vector<16xf32>,
    %get3A_215 = vector.shape_cast %get3A_214 : vector<16xf32> to vector<16xf32>
    %sub3A_216 = arith.subf %broadcast_in_dim3A_54, %get3A_215 : vector<16xf32>
    %get3A_217 = arith.constant 368 : index
    %get3A_218 = tpu.vector_load %arg5[%get3A_217] {strides = array<i32>} : memref<768xf32, #tpu.memory_space<vmem>>, vector<16xf32>,
    %get3A_219 = vector.shape_cast %get3A_218 : vector<16xf32> to vector<16xf32>
    %sub3A_220 = arith.subf %broadcast_in_dim3A_57, %get3A_219 : vector<16xf32>
    %mul3A_221 = arith.mulf %sub3A_212, %sub3A_212 : vector<16xf32>
    %mul3A_222 = arith.mulf %sub3A_216, %sub3A_216 : vector<16xf32>
    %add3A_223 = arith.addf %mul3A_221, %mul3A_222 : vector<16xf32>
    %mul3A_224 = arith.mulf %sub3A_220, %sub3A_220 : vector<16xf32>
    %add3A_225 = arith.addf %add3A_223, %mul3A_224 : vector<16xf32>
    %neg3A_226 = arith.constant 0.000000e+00 : f32
    %neg3A_227 = vector.broadcast %neg3A_226 : f32 to vector<16xf32>
    %neg3A_228 = arith.subf %neg3A_227, %add3A_225 : vector<16xf32>
    %exp3A_229 = math.exp %neg3A_228 : vector<16xf32>
    %add3A_230 = arith.addf %add3A_208, %exp3A_229 : vector<16xf32>
    %get3A_231 = arith.constant 384 : index
    %get3A_232 = tpu.vector_load %arg5[%get3A_231] {strides = array<i32>} : memref<768xf32, #tpu.memory_space<vmem>>, vector<16xf32>,
    %get3A_233 = vector.shape_cast %get3A_232 : vector<16xf32> to vector<16xf32>
    %sub3A_234 = arith.subf %broadcast_in_dim3A, %get3A_233 : vector<16xf32>
    %get3A_235 = arith.constant 400 : index
    %get3A_236 = tpu.vector_load %arg5[%get3A_235] {strides = array<i32>} : memref<768xf32, #tpu.memory_space<vmem>>, vector<16xf32>,
    %get3A_237 = vector.shape_cast %get3A_236 : vector<16xf32> to vector<16xf32>
    %sub3A_238 = arith.subf %broadcast_in_dim3A_54, %get3A_237 : vector<16xf32>
    %get3A_239 = arith.constant 416 : index
    %get3A_240 = tpu.vector_load %arg5[%get3A_239] {strides = array<i32>} : memref<768xf32, #tpu.memory_space<vmem>>, vector<16xf32>,
    %get3A_241 = vector.shape_cast %get3A_240 : vector<16xf32> to vector<16xf32>
    %sub3A_242 = arith.subf %broadcast_in_dim3A_57, %get3A_241 : vector<16xf32>
    %mul3A_243 = arith.mulf %sub3A_234, %sub3A_234 : vector<16xf32>
    %mul3A_244 = arith.mulf %sub3A_238, %sub3A_238 : vector<16xf32>
    %add3A_245 = arith.addf %mul3A_243, %mul3A_244 : vector<16xf32>
    %mul3A_246 = arith.mulf %sub3A_242, %sub3A_242 : vector<16xf32>
    %add3A_247 = arith.addf %add3A_245, %mul3A_246 : vector<16xf32>
    %neg3A_248 = arith.constant 0.000000e+00 : f32
    %neg3A_249 = vector.broadcast %neg3A_248 : f32 to vector<16xf32>
    %neg3A_250 = arith.subf %neg3A_249, %add3A_247 : vector<16xf32>
    %exp3A_251 = math.exp %neg3A_250 : vector<16xf32>
    %add3A_252 = arith.addf %add3A_230, %exp3A_251 : vector<16xf32>
    %get3A_253 = arith.constant 432 : index
    %get3A_254 = tpu.vector_load %arg5[%get3A_253] {strides = array<i32>} : memref<768xf32, #tpu.memory_space<vmem>>, vector<16xf32>,
    %get3A_255 = vector.shape_cast %get3A_254 : vector<16xf32> to vector<16xf32>
    %sub3A_256 = arith.subf %broadcast_in_dim3A, %get3A_255 : vector<16xf32>
    %get3A_257 = arith.constant 448 : index
    %get3A_258 = tpu.vector_load %arg5[%get3A_257] {strides = array<i32>} : memref<768xf32, #tpu.memory_space<vmem>>, vector<16xf32>,
    %get3A_259 = vector.shape_cast %get3A_258 : vector<16xf32> to vector<16xf32>
    %sub3A_260 = arith.subf %broadcast_in_dim3A_54, %get3A_259 : vector<16xf32>
    %get3A_261 = arith.constant 464 : index
    %get3A_262 = tpu.vector_load %arg5[%get3A_261] {strides = array<i32>} : memref<768xf32, #tpu.memory_space<vmem>>, vector<16xf32>,
    %get3A_263 = vector.shape_cast %get3A_262 : vector<16xf32> to vector<16xf32>
    %sub3A_264 = arith.subf %broadcast_in_dim3A_57, %get3A_263 : vector<16xf32>
    %mul3A_265 = arith.mulf %sub3A_256, %sub3A_256 : vector<16xf32>
    %mul3A_266 = arith.mulf %sub3A_260, %sub3A_260 : vector<16xf32>
    %add3A_267 = arith.addf %mul3A_265, %mul3A_266 : vector<16xf32>
    %mul3A_268 = arith.mulf %sub3A_264, %sub3A_264 : vector<16xf32>
    %add3A_269 = arith.addf %add3A_267, %mul3A_268 : vector<16xf32>
    %neg3A_270 = arith.constant 0.000000e+00 : f32
    %neg3A_271 = vector.broadcast %neg3A_270 : f32 to vector<16xf32>
    %neg3A_272 = arith.subf %neg3A_271, %add3A_269 : vector<16xf32>
    %exp3A_273 = math.exp %neg3A_272 : vector<16xf32>
    %add3A_274 = arith.addf %add3A_252, %exp3A_273 : vector<16xf32>
    %get3A_275 = arith.constant 480 : index
    %get3A_276 = tpu.vector_load %arg5[%get3A_275] {strides = array<i32>} : memref<768xf32, #tpu.memory_space<vmem>>, vector<16xf32>,
    %get3A_277 = vector.shape_cast %get3A_276 : vector<16xf32> to vector<16xf32>
    %sub3A_278 = arith.subf %broadcast_in_dim3A, %get3A_277 : vector<16xf32>
    %get3A_279 = arith.constant 496 : index
    %get3A_280 = tpu.vector_load %arg5[%get3A_279] {strides = array<i32>} : memref<768xf32, #tpu.memory_space<vmem>>, vector<16xf32>,
    %get3A_281 = vector.shape_cast %get3A_280 : vector<16xf32> to vector<16xf32>
    %sub3A_282 = arith.subf %broadcast_in_dim3A_54, %get3A_281 : vector<16xf32>
    %get3A_283 = arith.constant 512 : index
    %get3A_284 = tpu.vector_load %arg5[%get3A_283] {strides = array<i32>} : memref<768xf32, #tpu.memory_space<vmem>>, vector<16xf32>,
    %get3A_285 = vector.shape_cast %get3A_284 : vector<16xf32> to vector<16xf32>
    %sub3A_286 = arith.subf %broadcast_in_dim3A_57, %get3A_285 : vector<16xf32>
    %mul3A_287 = arith.mulf %sub3A_278, %sub3A_278 : vector<16xf32>
    %mul3A_288 = arith.mulf %sub3A_282, %sub3A_282 : vector<16xf32>
    %add3A_289 = arith.addf %mul3A_287, %mul3A_288 : vector<16xf32>
    %mul3A_290 = arith.mulf %sub3A_286, %sub3A_286 : vector<16xf32>
    %add3A_291 = arith.addf %add3A_289, %mul3A_290 : vector<16xf32>
    %neg3A_292 = arith.constant 0.000000e+00 : f32
    %neg3A_293 = vector.broadcast %neg3A_292 : f32 to vector<16xf32>
    %neg3A_294 = arith.subf %neg3A_293, %add3A_291 : vector<16xf32>
    %exp3A_295 = math.exp %neg3A_294 : vector<16xf32>
    %add3A_296 = arith.addf %add3A_274, %exp3A_295 : vector<16xf32>
    %get3A_297 = arith.constant 528 : index
    %get3A_298 = tpu.vector_load %arg5[%get3A_297] {strides = array<i32>} : memref<768xf32, #tpu.memory_space<vmem>>, vector<16xf32>,
    %get3A_299 = vector.shape_cast %get3A_298 : vector<16xf32> to vector<16xf32>
    %sub3A_300 = arith.subf %broadcast_in_dim3A, %get3A_299 : vector<16xf32>
    %get3A_301 = arith.constant 544 : index
    %get3A_302 = tpu.vector_load %arg5[%get3A_301] {strides = array<i32>} : memref<768xf32, #tpu.memory_space<vmem>>, vector<16xf32>,
    %get3A_303 = vector.shape_cast %get3A_302 : vector<16xf32> to vector<16xf32>
    %sub3A_304 = arith.subf %broadcast_in_dim3A_54, %get3A_303 : vector<16xf32>
    %get3A_305 = arith.constant 560 : index
    %get3A_306 = tpu.vector_load %arg5[%get3A_305] {strides = array<i32>} : memref<768xf32, #tpu.memory_space<vmem>>, vector<16xf32>,
    %get3A_307 = vector.shape_cast %get3A_306 : vector<16xf32> to vector<16xf32>
    %sub3A_308 = arith.subf %broadcast_in_dim3A_57, %get3A_307 : vector<16xf32>
    %mul3A_309 = arith.mulf %sub3A_300, %sub3A_300 : vector<16xf32>
    %mul3A_310 = arith.mulf %sub3A_304, %sub3A_304 : vector<16xf32>
    %add3A_311 = arith.addf %mul3A_309, %mul3A_310 : vector<16xf32>
    %mul3A_312 = arith.mulf %sub3A_308, %sub3A_308 : vector<16xf32>
    %add3A_313 = arith.addf %add3A_311, %mul3A_312 : vector<16xf32>
    %neg3A_314 = arith.constant 0.000000e+00 : f32
    %neg3A_315 = vector.broadcast %neg3A_314 : f32 to vector<16xf32>
    %neg3A_316 = arith.subf %neg3A_315, %add3A_313 : vector<16xf32>
    %exp3A_317 = math.exp %neg3A_316 : vector<16xf32>
    %add3A_318 = arith.addf %add3A_296, %exp3A_317 : vector<16xf32>
    %get3A_319 = arith.constant 576 : index
    %get3A_320 = tpu.vector_load %arg5[%get3A_319] {strides = array<i32>} : memref<768xf32, #tpu.memory_space<vmem>>, vector<16xf32>,
    %get3A_321 = vector.shape_cast %get3A_320 : vector<16xf32> to vector<16xf32>
    %sub3A_322 = arith.subf %broadcast_in_dim3A, %get3A_321 : vector<16xf32>
    %get3A_323 = arith.constant 592 : index
    %get3A_324 = tpu.vector_load %arg5[%get3A_323] {strides = array<i32>} : memref<768xf32, #tpu.memory_space<vmem>>, vector<16xf32>,
    %get3A_325 = vector.shape_cast %get3A_324 : vector<16xf32> to vector<16xf32>
    %sub3A_326 = arith.subf %broadcast_in_dim3A_54, %get3A_325 : vector<16xf32>
    %get3A_327 = arith.constant 608 : index
    %get3A_328 = tpu.vector_load %arg5[%get3A_327] {strides = array<i32>} : memref<768xf32, #tpu.memory_space<vmem>>, vector<16xf32>,
    %get3A_329 = vector.shape_cast %get3A_328 : vector<16xf32> to vector<16xf32>
    %sub3A_330 = arith.subf %broadcast_in_dim3A_57, %get3A_329 : vector<16xf32>
    %mul3A_331 = arith.mulf %sub3A_322, %sub3A_322 : vector<16xf32>
    %mul3A_332 = arith.mulf %sub3A_326, %sub3A_326 : vector<16xf32>
    %add3A_333 = arith.addf %mul3A_331, %mul3A_332 : vector<16xf32>
    %mul3A_334 = arith.mulf %sub3A_330, %sub3A_330 : vector<16xf32>
    %add3A_335 = arith.addf %add3A_333, %mul3A_334 : vector<16xf32>
    %neg3A_336 = arith.constant 0.000000e+00 : f32
    %neg3A_337 = vector.broadcast %neg3A_336 : f32 to vector<16xf32>
    %neg3A_338 = arith.subf %neg3A_337, %add3A_335 : vector<16xf32>
    %exp3A_339 = math.exp %neg3A_338 : vector<16xf32>
    %add3A_340 = arith.addf %add3A_318, %exp3A_339 : vector<16xf32>
    %get3A_341 = arith.constant 624 : index
    %get3A_342 = tpu.vector_load %arg5[%get3A_341] {strides = array<i32>} : memref<768xf32, #tpu.memory_space<vmem>>, vector<16xf32>,
    %get3A_343 = vector.shape_cast %get3A_342 : vector<16xf32> to vector<16xf32>
    %sub3A_344 = arith.subf %broadcast_in_dim3A, %get3A_343 : vector<16xf32>
    %get3A_345 = arith.constant 640 : index
    %get3A_346 = tpu.vector_load %arg5[%get3A_345] {strides = array<i32>} : memref<768xf32, #tpu.memory_space<vmem>>, vector<16xf32>,
    %get3A_347 = vector.shape_cast %get3A_346 : vector<16xf32> to vector<16xf32>
    %sub3A_348 = arith.subf %broadcast_in_dim3A_54, %get3A_347 : vector<16xf32>
    %get3A_349 = arith.constant 656 : index
    %get3A_350 = tpu.vector_load %arg5[%get3A_349] {strides = array<i32>} : memref<768xf32, #tpu.memory_space<vmem>>, vector<16xf32>,
    %get3A_351 = vector.shape_cast %get3A_350 : vector<16xf32> to vector<16xf32>
    %sub3A_352 = arith.subf %broadcast_in_dim3A_57, %get3A_351 : vector<16xf32>
    %mul3A_353 = arith.mulf %sub3A_344, %sub3A_344 : vector<16xf32>
    %mul3A_354 = arith.mulf %sub3A_348, %sub3A_348 : vector<16xf32>
    %add3A_355 = arith.addf %mul3A_353, %mul3A_354 : vector<16xf32>
    %mul3A_356 = arith.mulf %sub3A_352, %sub3A_352 : vector<16xf32>
    %add3A_357 = arith.addf %add3A_355, %mul3A_356 : vector<16xf32>
    %neg3A_358 = arith.constant 0.000000e+00 : f32
    %neg3A_359 = vector.broadcast %neg3A_358 : f32 to vector<16xf32>
    %neg3A_360 = arith.subf %neg3A_359, %add3A_357 : vector<16xf32>
    %exp3A_361 = math.exp %neg3A_360 : vector<16xf32>
    %add3A_362 = arith.addf %add3A_340, %exp3A_361 : vector<16xf32>
    %get3A_363 = arith.constant 672 : index
    %get3A_364 = tpu.vector_load %arg5[%get3A_363] {strides = array<i32>} : memref<768xf32, #tpu.memory_space<vmem>>, vector<16xf32>,
    %get3A_365 = vector.shape_cast %get3A_364 : vector<16xf32> to vector<16xf32>
    %sub3A_366 = arith.subf %broadcast_in_dim3A, %get3A_365 : vector<16xf32>
    %get3A_367 = arith.constant 688 : index
    %get3A_368 = tpu.vector_load %arg5[%get3A_367] {strides = array<i32>} : memref<768xf32, #tpu.memory_space<vmem>>, vector<16xf32>,
    %get3A_369 = vector.shape_cast %get3A_368 : vector<16xf32> to vector<16xf32>
    %sub3A_370 = arith.subf %broadcast_in_dim3A_54, %get3A_369 : vector<16xf32>
    %get3A_371 = arith.constant 704 : index
    %get3A_372 = tpu.vector_load %arg5[%get3A_371] {strides = array<i32>} : memref<768xf32, #tpu.memory_space<vmem>>, vector<16xf32>,
    %get3A_373 = vector.shape_cast %get3A_372 : vector<16xf32> to vector<16xf32>
    %sub3A_374 = arith.subf %broadcast_in_dim3A_57, %get3A_373 : vector<16xf32>
    %mul3A_375 = arith.mulf %sub3A_366, %sub3A_366 : vector<16xf32>
    %mul3A_376 = arith.mulf %sub3A_370, %sub3A_370 : vector<16xf32>
    %add3A_377 = arith.addf %mul3A_375, %mul3A_376 : vector<16xf32>
    %mul3A_378 = arith.mulf %sub3A_374, %sub3A_374 : vector<16xf32>
    %add3A_379 = arith.addf %add3A_377, %mul3A_378 : vector<16xf32>
    %neg3A_380 = arith.constant 0.000000e+00 : f32
    %neg3A_381 = vector.broadcast %neg3A_380 : f32 to vector<16xf32>
    %neg3A_382 = arith.subf %neg3A_381, %add3A_379 : vector<16xf32>
    %exp3A_383 = math.exp %neg3A_382 : vector<16xf32>
    %add3A_384 = arith.addf %add3A_362, %exp3A_383 : vector<16xf32>
    %get3A_385 = arith.constant 720 : index
    %get3A_386 = tpu.vector_load %arg5[%get3A_385] {strides = array<i32>} : memref<768xf32, #tpu.memory_space<vmem>>, vector<16xf32>,
    %get3A_387 = vector.shape_cast %get3A_386 : vector<16xf32> to vector<16xf32>
    %sub3A_388 = arith.subf %broadcast_in_dim3A, %get3A_387 : vector<16xf32>
    %get3A_389 = arith.constant 736 : index
    %get3A_390 = tpu.vector_load %arg5[%get3A_389] {strides = array<i32>} : memref<768xf32, #tpu.memory_space<vmem>>, vector<16xf32>,
    %get3A_391 = vector.shape_cast %get3A_390 : vector<16xf32> to vector<16xf32>
    %sub3A_392 = arith.subf %broadcast_in_dim3A_54, %get3A_391 : vector<16xf32>
    %get3A_393 = arith.constant 752 : index
    %get3A_394 = tpu.vector_load %arg5[%get3A_393] {strides = array<i32>} : memref<768xf32, #tpu.memory_space<vmem>>, vector<16xf32>,
    %get3A_395 = vector.shape_cast %get3A_394 : vector<16xf32> to vector<16xf32>
    %sub3A_396 = arith.subf %broadcast_in_dim3A_57, %get3A_395 : vector<16xf32>
    %mul3A_397 = arith.mulf %sub3A_388, %sub3A_388 : vector<16xf32>
    %mul3A_398 = arith.mulf %sub3A_392, %sub3A_392 : vector<16xf32>
    %add3A_399 = arith.addf %mul3A_397, %mul3A_398 : vector<16xf32>
    %mul3A_400 = arith.mulf %sub3A_396, %sub3A_396 : vector<16xf32>
    %add3A_401 = arith.addf %add3A_399, %mul3A_400 : vector<16xf32>
    %neg3A_402 = arith.constant 0.000000e+00 : f32
    %neg3A_403 = vector.broadcast %neg3A_402 : f32 to vector<16xf32>
    %neg3A_404 = arith.subf %neg3A_403, %add3A_401 : vector<16xf32>
    %exp3A_405 = math.exp %neg3A_404 : vector<16xf32>
    %add3A_406 = arith.addf %add3A_384, %exp3A_405 : vector<16xf32>
    %mul3A_407 = arith.constant 7.812500e-03 : f32
    %mul3A_408 = vector.broadcast %mul3A_407 : f32 to vector<16xf32>
    %mul3A_409 = arith.mulf %add3A_406, %mul3A_408 : vector<16xf32>
    %swap3A = arith.constant 0 : index
    %swap3A_410 = tpu.vector_load %arg6[%swap3A] {strides = array<i32>} : memref<16xf32, #tpu.memory_space<vmem>>, vector<16xf32>,
    %swap3A_411 = vector.shape_cast %swap3A_410 : vector<16xf32> to vector<16xf32>
    %swap3A_412 = vector.shape_cast %mul3A_409 : vector<16xf32> to vector<16xf32>
    tpu.vector_store %arg6[%swap3A], %swap3A_412 {strides = array<i32>} : memref<16xf32, #tpu.memory_space<vmem>>, vector<16xf32>,
    %mul3A_413 = arith.constant 16 : i32
    %mul3A_414 = arith.muli %select_n3A_7, %mul3A_413 : i32
    "tpu.region"() ({
      %run_scoped3A = tpu.sem_alloc : memref<!tpu.dma_semaphore, #tpu.memory_space<semaphore_mem>>
      %dma_start3A_794 = tpu.memref_slice %arg3[%select_n3A_28, %mul3A_414] : memref<10x64xf32, #tpu.memory_space<hbm>> -> memref<1x16xf32, #tpu.memory_space<hbm>>
      %dma_start3A_795 = tpu.memref_squeeze %dma_start3A_794 : memref<1x16xf32, #tpu.memory_space<hbm>> -> memref<16xf32, #tpu.memory_space<hbm>>
      %dma_start3A_796 = tpu.memref_slice %arg3[%select_n3A_28, %mul3A_414] : memref<10x64xf32, #tpu.memory_space<hbm>> -> memref<1x16xf32, #tpu.memory_space<hbm>>
      %dma_start3A_797 = tpu.memref_squeeze %dma_start3A_796 : memref<1x16xf32, #tpu.memory_space<hbm>> -> memref<16xf32, #tpu.memory_space<hbm>>
      tpu.enqueue_dma source(%arg6 : memref<16xf32, #tpu.memory_space<vmem>>) target(%dma_start3A_797 : memref<16xf32, #tpu.memory_space<hbm>>) target_semaphore(%run_scoped3A : memref<!tpu.dma_semaphore, #tpu.memory_space<semaphore_mem>>)
      %dma_wait3A_798 = tpu.memref_slice %arg3[%select_n3A_28, %mul3A_414] : memref<10x64xf32, #tpu.memory_space<hbm>> -> memref<1x16xf32, #tpu.memory_space<hbm>>
      %dma_wait3A_799 = tpu.memref_squeeze %dma_wait3A_798 : memref<1x16xf32, #tpu.memory_space<hbm>> -> memref<16xf32, #tpu.memory_space<hbm>>
      %dma_wait3A_800 = tpu.memref_slice %arg3[%select_n3A_28, %mul3A_414] : memref<10x64xf32, #tpu.memory_space<hbm>> -> memref<1x16xf32, #tpu.memory_space<hbm>>
      %dma_wait3A_801 = tpu.memref_squeeze %dma_wait3A_800 : memref<1x16xf32, #tpu.memory_space<hbm>> -> memref<16xf32, #tpu.memory_space<hbm>>
      tpu.wait_dma2 semaphore(%run_scoped3A : memref<!tpu.dma_semaphore, #tpu.memory_space<semaphore_mem>>) src(%arg6 : memref<16xf32, #tpu.memory_space<vmem>>) dst(%dma_wait3A_801 : memref<16xf32, #tpu.memory_space<hbm>>)
      tpu.yield
    }) : () -> ()
    %add3A_415 = arith.constant 4 : i32
    %add3A_416 = arith.addi %select_n3A_28, %add3A_415 : i32
    %mul3A_417 = arith.constant 3 : i32
    %mul3A_418 = arith.muli %add3A_416, %mul3A_417 : i32
    %get3A_419 = arith.index_cast %mul3A_418 : i32 to index
    %get3A_420 = tpu.vector_load %arg4[%get3A_419] {strides = array<i32>} : memref<48xf32, #tpu.memory_space<vmem>>, vector<16xf32>,
    %get3A_421 = vector.shape_cast %get3A_420 : vector<16xf32> to vector<16xf32>
    %slice3A_422 = vector.extract_strided_slice %get3A_421 {offsets = [0], sizes = [1], strides = [1]} : vector<16xf32> to vector<1xf32>
    %squeeze3A_423 = vector.extract %slice3A_422[0] : f32 from vector<1xf32>
    %broadcast_in_dim3A_424 = vector.broadcast %squeeze3A_423 : f32 to vector<16xf32>
    %slice3A_425 = vector.extract_strided_slice %get3A_421 {offsets = [1], sizes = [1], strides = [1]} : vector<16xf32> to vector<1xf32>
    %squeeze3A_426 = vector.extract %slice3A_425[0] : f32 from vector<1xf32>
    %broadcast_in_dim3A_427 = vector.broadcast %squeeze3A_426 : f32 to vector<16xf32>
    %slice3A_428 = vector.extract_strided_slice %get3A_421 {offsets = [2], sizes = [1], strides = [1]} : vector<16xf32> to vector<1xf32>
    %squeeze3A_429 = vector.extract %slice3A_428[0] : f32 from vector<1xf32>
    %broadcast_in_dim3A_430 = vector.broadcast %squeeze3A_429 : f32 to vector<16xf32>
    %get3A_431 = arith.constant 0 : index
    %get3A_432 = tpu.vector_load %arg5[%get3A_431] {strides = array<i32>} : memref<768xf32, #tpu.memory_space<vmem>>, vector<16xf32>,
    %get3A_433 = vector.shape_cast %get3A_432 : vector<16xf32> to vector<16xf32>
    %sub3A_434 = arith.subf %broadcast_in_dim3A_424, %get3A_433 : vector<16xf32>
    %get3A_435 = arith.constant 16 : index
    %get3A_436 = tpu.vector_load %arg5[%get3A_435] {strides = array<i32>} : memref<768xf32, #tpu.memory_space<vmem>>, vector<16xf32>,
    %get3A_437 = vector.shape_cast %get3A_436 : vector<16xf32> to vector<16xf32>
    %sub3A_438 = arith.subf %broadcast_in_dim3A_427, %get3A_437 : vector<16xf32>
    %get3A_439 = arith.constant 32 : index
    %get3A_440 = tpu.vector_load %arg5[%get3A_439] {strides = array<i32>} : memref<768xf32, #tpu.memory_space<vmem>>, vector<16xf32>,
    %get3A_441 = vector.shape_cast %get3A_440 : vector<16xf32> to vector<16xf32>
    %sub3A_442 = arith.subf %broadcast_in_dim3A_430, %get3A_441 : vector<16xf32>
    %mul3A_443 = arith.mulf %sub3A_434, %sub3A_434 : vector<16xf32>
    %mul3A_444 = arith.mulf %sub3A_438, %sub3A_438 : vector<16xf32>
    %add3A_445 = arith.addf %mul3A_443, %mul3A_444 : vector<16xf32>
    %mul3A_446 = arith.mulf %sub3A_442, %sub3A_442 : vector<16xf32>
    %add3A_447 = arith.addf %add3A_445, %mul3A_446 : vector<16xf32>
    %neg3A_448 = arith.constant 0.000000e+00 : f32
    %neg3A_449 = vector.broadcast %neg3A_448 : f32 to vector<16xf32>
    %neg3A_450 = arith.subf %neg3A_449, %add3A_447 : vector<16xf32>
    %exp3A_451 = math.exp %neg3A_450 : vector<16xf32>
    %get3A_452 = arith.constant 48 : index
    %get3A_453 = tpu.vector_load %arg5[%get3A_452] {strides = array<i32>} : memref<768xf32, #tpu.memory_space<vmem>>, vector<16xf32>,
    %get3A_454 = vector.shape_cast %get3A_453 : vector<16xf32> to vector<16xf32>
    %sub3A_455 = arith.subf %broadcast_in_dim3A_424, %get3A_454 : vector<16xf32>
    %get3A_456 = arith.constant 64 : index
    %get3A_457 = tpu.vector_load %arg5[%get3A_456] {strides = array<i32>} : memref<768xf32, #tpu.memory_space<vmem>>, vector<16xf32>,
    %get3A_458 = vector.shape_cast %get3A_457 : vector<16xf32> to vector<16xf32>
    %sub3A_459 = arith.subf %broadcast_in_dim3A_427, %get3A_458 : vector<16xf32>
    %get3A_460 = arith.constant 80 : index
    %get3A_461 = tpu.vector_load %arg5[%get3A_460] {strides = array<i32>} : memref<768xf32, #tpu.memory_space<vmem>>, vector<16xf32>,
    %get3A_462 = vector.shape_cast %get3A_461 : vector<16xf32> to vector<16xf32>
    %sub3A_463 = arith.subf %broadcast_in_dim3A_430, %get3A_462 : vector<16xf32>
    %mul3A_464 = arith.mulf %sub3A_455, %sub3A_455 : vector<16xf32>
    %mul3A_465 = arith.mulf %sub3A_459, %sub3A_459 : vector<16xf32>
    %add3A_466 = arith.addf %mul3A_464, %mul3A_465 : vector<16xf32>
    %mul3A_467 = arith.mulf %sub3A_463, %sub3A_463 : vector<16xf32>
    %add3A_468 = arith.addf %add3A_466, %mul3A_467 : vector<16xf32>
    %neg3A_469 = arith.constant 0.000000e+00 : f32
    %neg3A_470 = vector.broadcast %neg3A_469 : f32 to vector<16xf32>
    %neg3A_471 = arith.subf %neg3A_470, %add3A_468 : vector<16xf32>
    %exp3A_472 = math.exp %neg3A_471 : vector<16xf32>
    %add3A_473 = arith.addf %exp3A_451, %exp3A_472 : vector<16xf32>
    %get3A_474 = arith.constant 96 : index
    %get3A_475 = tpu.vector_load %arg5[%get3A_474] {strides = array<i32>} : memref<768xf32, #tpu.memory_space<vmem>>, vector<16xf32>,
    %get3A_476 = vector.shape_cast %get3A_475 : vector<16xf32> to vector<16xf32>
    %sub3A_477 = arith.subf %broadcast_in_dim3A_424, %get3A_476 : vector<16xf32>
    %get3A_478 = arith.constant 112 : index
    %get3A_479 = tpu.vector_load %arg5[%get3A_478] {strides = array<i32>} : memref<768xf32, #tpu.memory_space<vmem>>, vector<16xf32>,
    %get3A_480 = vector.shape_cast %get3A_479 : vector<16xf32> to vector<16xf32>
    %sub3A_481 = arith.subf %broadcast_in_dim3A_427, %get3A_480 : vector<16xf32>
    %get3A_482 = arith.constant 128 : index
    %get3A_483 = tpu.vector_load %arg5[%get3A_482] {strides = array<i32>} : memref<768xf32, #tpu.memory_space<vmem>>, vector<16xf32>,
    %get3A_484 = vector.shape_cast %get3A_483 : vector<16xf32> to vector<16xf32>
    %sub3A_485 = arith.subf %broadcast_in_dim3A_430, %get3A_484 : vector<16xf32>
    %mul3A_486 = arith.mulf %sub3A_477, %sub3A_477 : vector<16xf32>
    %mul3A_487 = arith.mulf %sub3A_481, %sub3A_481 : vector<16xf32>
    %add3A_488 = arith.addf %mul3A_486, %mul3A_487 : vector<16xf32>
    %mul3A_489 = arith.mulf %sub3A_485, %sub3A_485 : vector<16xf32>
    %add3A_490 = arith.addf %add3A_488, %mul3A_489 : vector<16xf32>
    %neg3A_491 = arith.constant 0.000000e+00 : f32
    %neg3A_492 = vector.broadcast %neg3A_491 : f32 to vector<16xf32>
    %neg3A_493 = arith.subf %neg3A_492, %add3A_490 : vector<16xf32>
    %exp3A_494 = math.exp %neg3A_493 : vector<16xf32>
    %add3A_495 = arith.addf %add3A_473, %exp3A_494 : vector<16xf32>
    %get3A_496 = arith.constant 144 : index
    %get3A_497 = tpu.vector_load %arg5[%get3A_496] {strides = array<i32>} : memref<768xf32, #tpu.memory_space<vmem>>, vector<16xf32>,
    %get3A_498 = vector.shape_cast %get3A_497 : vector<16xf32> to vector<16xf32>
    %sub3A_499 = arith.subf %broadcast_in_dim3A_424, %get3A_498 : vector<16xf32>
    %get3A_500 = arith.constant 160 : index
    %get3A_501 = tpu.vector_load %arg5[%get3A_500] {strides = array<i32>} : memref<768xf32, #tpu.memory_space<vmem>>, vector<16xf32>,
    %get3A_502 = vector.shape_cast %get3A_501 : vector<16xf32> to vector<16xf32>
    %sub3A_503 = arith.subf %broadcast_in_dim3A_427, %get3A_502 : vector<16xf32>
    %get3A_504 = arith.constant 176 : index
    %get3A_505 = tpu.vector_load %arg5[%get3A_504] {strides = array<i32>} : memref<768xf32, #tpu.memory_space<vmem>>, vector<16xf32>,
    %get3A_506 = vector.shape_cast %get3A_505 : vector<16xf32> to vector<16xf32>
    %sub3A_507 = arith.subf %broadcast_in_dim3A_430, %get3A_506 : vector<16xf32>
    %mul3A_508 = arith.mulf %sub3A_499, %sub3A_499 : vector<16xf32>
    %mul3A_509 = arith.mulf %sub3A_503, %sub3A_503 : vector<16xf32>
    %add3A_510 = arith.addf %mul3A_508, %mul3A_509 : vector<16xf32>
    %mul3A_511 = arith.mulf %sub3A_507, %sub3A_507 : vector<16xf32>
    %add3A_512 = arith.addf %add3A_510, %mul3A_511 : vector<16xf32>
    %neg3A_513 = arith.constant 0.000000e+00 : f32
    %neg3A_514 = vector.broadcast %neg3A_513 : f32 to vector<16xf32>
    %neg3A_515 = arith.subf %neg3A_514, %add3A_512 : vector<16xf32>
    %exp3A_516 = math.exp %neg3A_515 : vector<16xf32>
    %add3A_517 = arith.addf %add3A_495, %exp3A_516 : vector<16xf32>
    %get3A_518 = arith.constant 192 : index
    %get3A_519 = tpu.vector_load %arg5[%get3A_518] {strides = array<i32>} : memref<768xf32, #tpu.memory_space<vmem>>, vector<16xf32>,
    %get3A_520 = vector.shape_cast %get3A_519 : vector<16xf32> to vector<16xf32>
    %sub3A_521 = arith.subf %broadcast_in_dim3A_424, %get3A_520 : vector<16xf32>
    %get3A_522 = arith.constant 208 : index
    %get3A_523 = tpu.vector_load %arg5[%get3A_522] {strides = array<i32>} : memref<768xf32, #tpu.memory_space<vmem>>, vector<16xf32>,
    %get3A_524 = vector.shape_cast %get3A_523 : vector<16xf32> to vector<16xf32>
    %sub3A_525 = arith.subf %broadcast_in_dim3A_427, %get3A_524 : vector<16xf32>
    %get3A_526 = arith.constant 224 : index
    %get3A_527 = tpu.vector_load %arg5[%get3A_526] {strides = array<i32>} : memref<768xf32, #tpu.memory_space<vmem>>, vector<16xf32>,
    %get3A_528 = vector.shape_cast %get3A_527 : vector<16xf32> to vector<16xf32>
    %sub3A_529 = arith.subf %broadcast_in_dim3A_430, %get3A_528 : vector<16xf32>
    %mul3A_530 = arith.mulf %sub3A_521, %sub3A_521 : vector<16xf32>
    %mul3A_531 = arith.mulf %sub3A_525, %sub3A_525 : vector<16xf32>
    %add3A_532 = arith.addf %mul3A_530, %mul3A_531 : vector<16xf32>
    %mul3A_533 = arith.mulf %sub3A_529, %sub3A_529 : vector<16xf32>
    %add3A_534 = arith.addf %add3A_532, %mul3A_533 : vector<16xf32>
    %neg3A_535 = arith.constant 0.000000e+00 : f32
    %neg3A_536 = vector.broadcast %neg3A_535 : f32 to vector<16xf32>
    %neg3A_537 = arith.subf %neg3A_536, %add3A_534 : vector<16xf32>
    %exp3A_538 = math.exp %neg3A_537 : vector<16xf32>
    %add3A_539 = arith.addf %add3A_517, %exp3A_538 : vector<16xf32>
    %get3A_540 = arith.constant 240 : index
    %get3A_541 = tpu.vector_load %arg5[%get3A_540] {strides = array<i32>} : memref<768xf32, #tpu.memory_space<vmem>>, vector<16xf32>,
    %get3A_542 = vector.shape_cast %get3A_541 : vector<16xf32> to vector<16xf32>
    %sub3A_543 = arith.subf %broadcast_in_dim3A_424, %get3A_542 : vector<16xf32>
    %get3A_544 = arith.constant 256 : index
    %get3A_545 = tpu.vector_load %arg5[%get3A_544] {strides = array<i32>} : memref<768xf32, #tpu.memory_space<vmem>>, vector<16xf32>,
    %get3A_546 = vector.shape_cast %get3A_545 : vector<16xf32> to vector<16xf32>
    %sub3A_547 = arith.subf %broadcast_in_dim3A_427, %get3A_546 : vector<16xf32>
    %get3A_548 = arith.constant 272 : index
    %get3A_549 = tpu.vector_load %arg5[%get3A_548] {strides = array<i32>} : memref<768xf32, #tpu.memory_space<vmem>>, vector<16xf32>,
    %get3A_550 = vector.shape_cast %get3A_549 : vector<16xf32> to vector<16xf32>
    %sub3A_551 = arith.subf %broadcast_in_dim3A_430, %get3A_550 : vector<16xf32>
    %mul3A_552 = arith.mulf %sub3A_543, %sub3A_543 : vector<16xf32>
    %mul3A_553 = arith.mulf %sub3A_547, %sub3A_547 : vector<16xf32>
    %add3A_554 = arith.addf %mul3A_552, %mul3A_553 : vector<16xf32>
    %mul3A_555 = arith.mulf %sub3A_551, %sub3A_551 : vector<16xf32>
    %add3A_556 = arith.addf %add3A_554, %mul3A_555 : vector<16xf32>
    %neg3A_557 = arith.constant 0.000000e+00 : f32
    %neg3A_558 = vector.broadcast %neg3A_557 : f32 to vector<16xf32>
    %neg3A_559 = arith.subf %neg3A_558, %add3A_556 : vector<16xf32>
    %exp3A_560 = math.exp %neg3A_559 : vector<16xf32>
    %add3A_561 = arith.addf %add3A_539, %exp3A_560 : vector<16xf32>
    %get3A_562 = arith.constant 288 : index
    %get3A_563 = tpu.vector_load %arg5[%get3A_562] {strides = array<i32>} : memref<768xf32, #tpu.memory_space<vmem>>, vector<16xf32>,
    %get3A_564 = vector.shape_cast %get3A_563 : vector<16xf32> to vector<16xf32>
    %sub3A_565 = arith.subf %broadcast_in_dim3A_424, %get3A_564 : vector<16xf32>
    %get3A_566 = arith.constant 304 : index
    %get3A_567 = tpu.vector_load %arg5[%get3A_566] {strides = array<i32>} : memref<768xf32, #tpu.memory_space<vmem>>, vector<16xf32>,
    %get3A_568 = vector.shape_cast %get3A_567 : vector<16xf32> to vector<16xf32>
    %sub3A_569 = arith.subf %broadcast_in_dim3A_427, %get3A_568 : vector<16xf32>
    %get3A_570 = arith.constant 320 : index
    %get3A_571 = tpu.vector_load %arg5[%get3A_570] {strides = array<i32>} : memref<768xf32, #tpu.memory_space<vmem>>, vector<16xf32>,
    %get3A_572 = vector.shape_cast %get3A_571 : vector<16xf32> to vector<16xf32>
    %sub3A_573 = arith.subf %broadcast_in_dim3A_430, %get3A_572 : vector<16xf32>
    %mul3A_574 = arith.mulf %sub3A_565, %sub3A_565 : vector<16xf32>
    %mul3A_575 = arith.mulf %sub3A_569, %sub3A_569 : vector<16xf32>
    %add3A_576 = arith.addf %mul3A_574, %mul3A_575 : vector<16xf32>
    %mul3A_577 = arith.mulf %sub3A_573, %sub3A_573 : vector<16xf32>
    %add3A_578 = arith.addf %add3A_576, %mul3A_577 : vector<16xf32>
    %neg3A_579 = arith.constant 0.000000e+00 : f32
    %neg3A_580 = vector.broadcast %neg3A_579 : f32 to vector<16xf32>
    %neg3A_581 = arith.subf %neg3A_580, %add3A_578 : vector<16xf32>
    %exp3A_582 = math.exp %neg3A_581 : vector<16xf32>
    %add3A_583 = arith.addf %add3A_561, %exp3A_582 : vector<16xf32>
    %get3A_584 = arith.constant 336 : index
    %get3A_585 = tpu.vector_load %arg5[%get3A_584] {strides = array<i32>} : memref<768xf32, #tpu.memory_space<vmem>>, vector<16xf32>,
    %get3A_586 = vector.shape_cast %get3A_585 : vector<16xf32> to vector<16xf32>
    %sub3A_587 = arith.subf %broadcast_in_dim3A_424, %get3A_586 : vector<16xf32>
    %get3A_588 = arith.constant 352 : index
    %get3A_589 = tpu.vector_load %arg5[%get3A_588] {strides = array<i32>} : memref<768xf32, #tpu.memory_space<vmem>>, vector<16xf32>,
    %get3A_590 = vector.shape_cast %get3A_589 : vector<16xf32> to vector<16xf32>
    %sub3A_591 = arith.subf %broadcast_in_dim3A_427, %get3A_590 : vector<16xf32>
    %get3A_592 = arith.constant 368 : index
    %get3A_593 = tpu.vector_load %arg5[%get3A_592] {strides = array<i32>} : memref<768xf32, #tpu.memory_space<vmem>>, vector<16xf32>,
    %get3A_594 = vector.shape_cast %get3A_593 : vector<16xf32> to vector<16xf32>
    %sub3A_595 = arith.subf %broadcast_in_dim3A_430, %get3A_594 : vector<16xf32>
    %mul3A_596 = arith.mulf %sub3A_587, %sub3A_587 : vector<16xf32>
    %mul3A_597 = arith.mulf %sub3A_591, %sub3A_591 : vector<16xf32>
    %add3A_598 = arith.addf %mul3A_596, %mul3A_597 : vector<16xf32>
    %mul3A_599 = arith.mulf %sub3A_595, %sub3A_595 : vector<16xf32>
    %add3A_600 = arith.addf %add3A_598, %mul3A_599 : vector<16xf32>
    %neg3A_601 = arith.constant 0.000000e+00 : f32
    %neg3A_602 = vector.broadcast %neg3A_601 : f32 to vector<16xf32>
    %neg3A_603 = arith.subf %neg3A_602, %add3A_600 : vector<16xf32>
    %exp3A_604 = math.exp %neg3A_603 : vector<16xf32>
    %add3A_605 = arith.addf %add3A_583, %exp3A_604 : vector<16xf32>
    %get3A_606 = arith.constant 384 : index
    %get3A_607 = tpu.vector_load %arg5[%get3A_606] {strides = array<i32>} : memref<768xf32, #tpu.memory_space<vmem>>, vector<16xf32>,
    %get3A_608 = vector.shape_cast %get3A_607 : vector<16xf32> to vector<16xf32>
    %sub3A_609 = arith.subf %broadcast_in_dim3A_424, %get3A_608 : vector<16xf32>
    %get3A_610 = arith.constant 400 : index
    %get3A_611 = tpu.vector_load %arg5[%get3A_610] {strides = array<i32>} : memref<768xf32, #tpu.memory_space<vmem>>, vector<16xf32>,
    %get3A_612 = vector.shape_cast %get3A_611 : vector<16xf32> to vector<16xf32>
    %sub3A_613 = arith.subf %broadcast_in_dim3A_427, %get3A_612 : vector<16xf32>
    %get3A_614 = arith.constant 416 : index
    %get3A_615 = tpu.vector_load %arg5[%get3A_614] {strides = array<i32>} : memref<768xf32, #tpu.memory_space<vmem>>, vector<16xf32>,
    %get3A_616 = vector.shape_cast %get3A_615 : vector<16xf32> to vector<16xf32>
    %sub3A_617 = arith.subf %broadcast_in_dim3A_430, %get3A_616 : vector<16xf32>
    %mul3A_618 = arith.mulf %sub3A_609, %sub3A_609 : vector<16xf32>
    %mul3A_619 = arith.mulf %sub3A_613, %sub3A_613 : vector<16xf32>
    %add3A_620 = arith.addf %mul3A_618, %mul3A_619 : vector<16xf32>
    %mul3A_621 = arith.mulf %sub3A_617, %sub3A_617 : vector<16xf32>
    %add3A_622 = arith.addf %add3A_620, %mul3A_621 : vector<16xf32>
    %neg3A_623 = arith.constant 0.000000e+00 : f32
    %neg3A_624 = vector.broadcast %neg3A_623 : f32 to vector<16xf32>
    %neg3A_625 = arith.subf %neg3A_624, %add3A_622 : vector<16xf32>
    %exp3A_626 = math.exp %neg3A_625 : vector<16xf32>
    %add3A_627 = arith.addf %add3A_605, %exp3A_626 : vector<16xf32>
    %get3A_628 = arith.constant 432 : index
    %get3A_629 = tpu.vector_load %arg5[%get3A_628] {strides = array<i32>} : memref<768xf32, #tpu.memory_space<vmem>>, vector<16xf32>,
    %get3A_630 = vector.shape_cast %get3A_629 : vector<16xf32> to vector<16xf32>
    %sub3A_631 = arith.subf %broadcast_in_dim3A_424, %get3A_630 : vector<16xf32>
    %get3A_632 = arith.constant 448 : index
    %get3A_633 = tpu.vector_load %arg5[%get3A_632] {strides = array<i32>} : memref<768xf32, #tpu.memory_space<vmem>>, vector<16xf32>,
    %get3A_634 = vector.shape_cast %get3A_633 : vector<16xf32> to vector<16xf32>
    %sub3A_635 = arith.subf %broadcast_in_dim3A_427, %get3A_634 : vector<16xf32>
    %get3A_636 = arith.constant 464 : index
    %get3A_637 = tpu.vector_load %arg5[%get3A_636] {strides = array<i32>} : memref<768xf32, #tpu.memory_space<vmem>>, vector<16xf32>,
    %get3A_638 = vector.shape_cast %get3A_637 : vector<16xf32> to vector<16xf32>
    %sub3A_639 = arith.subf %broadcast_in_dim3A_430, %get3A_638 : vector<16xf32>
    %mul3A_640 = arith.mulf %sub3A_631, %sub3A_631 : vector<16xf32>
    %mul3A_641 = arith.mulf %sub3A_635, %sub3A_635 : vector<16xf32>
    %add3A_642 = arith.addf %mul3A_640, %mul3A_641 : vector<16xf32>
    %mul3A_643 = arith.mulf %sub3A_639, %sub3A_639 : vector<16xf32>
    %add3A_644 = arith.addf %add3A_642, %mul3A_643 : vector<16xf32>
    %neg3A_645 = arith.constant 0.000000e+00 : f32
    %neg3A_646 = vector.broadcast %neg3A_645 : f32 to vector<16xf32>
    %neg3A_647 = arith.subf %neg3A_646, %add3A_644 : vector<16xf32>
    %exp3A_648 = math.exp %neg3A_647 : vector<16xf32>
    %add3A_649 = arith.addf %add3A_627, %exp3A_648 : vector<16xf32>
    %get3A_650 = arith.constant 480 : index
    %get3A_651 = tpu.vector_load %arg5[%get3A_650] {strides = array<i32>} : memref<768xf32, #tpu.memory_space<vmem>>, vector<16xf32>,
    %get3A_652 = vector.shape_cast %get3A_651 : vector<16xf32> to vector<16xf32>
    %sub3A_653 = arith.subf %broadcast_in_dim3A_424, %get3A_652 : vector<16xf32>
    %get3A_654 = arith.constant 496 : index
    %get3A_655 = tpu.vector_load %arg5[%get3A_654] {strides = array<i32>} : memref<768xf32, #tpu.memory_space<vmem>>, vector<16xf32>,
    %get3A_656 = vector.shape_cast %get3A_655 : vector<16xf32> to vector<16xf32>
    %sub3A_657 = arith.subf %broadcast_in_dim3A_427, %get3A_656 : vector<16xf32>
    %get3A_658 = arith.constant 512 : index
    %get3A_659 = tpu.vector_load %arg5[%get3A_658] {strides = array<i32>} : memref<768xf32, #tpu.memory_space<vmem>>, vector<16xf32>,
    %get3A_660 = vector.shape_cast %get3A_659 : vector<16xf32> to vector<16xf32>
    %sub3A_661 = arith.subf %broadcast_in_dim3A_430, %get3A_660 : vector<16xf32>
    %mul3A_662 = arith.mulf %sub3A_653, %sub3A_653 : vector<16xf32>
    %mul3A_663 = arith.mulf %sub3A_657, %sub3A_657 : vector<16xf32>
    %add3A_664 = arith.addf %mul3A_662, %mul3A_663 : vector<16xf32>
    %mul3A_665 = arith.mulf %sub3A_661, %sub3A_661 : vector<16xf32>
    %add3A_666 = arith.addf %add3A_664, %mul3A_665 : vector<16xf32>
    %neg3A_667 = arith.constant 0.000000e+00 : f32
    %neg3A_668 = vector.broadcast %neg3A_667 : f32 to vector<16xf32>
    %neg3A_669 = arith.subf %neg3A_668, %add3A_666 : vector<16xf32>
    %exp3A_670 = math.exp %neg3A_669 : vector<16xf32>
    %add3A_671 = arith.addf %add3A_649, %exp3A_670 : vector<16xf32>
    %get3A_672 = arith.constant 528 : index
    %get3A_673 = tpu.vector_load %arg5[%get3A_672] {strides = array<i32>} : memref<768xf32, #tpu.memory_space<vmem>>, vector<16xf32>,
    %get3A_674 = vector.shape_cast %get3A_673 : vector<16xf32> to vector<16xf32>
    %sub3A_675 = arith.subf %broadcast_in_dim3A_424, %get3A_674 : vector<16xf32>
    %get3A_676 = arith.constant 544 : index
    %get3A_677 = tpu.vector_load %arg5[%get3A_676] {strides = array<i32>} : memref<768xf32, #tpu.memory_space<vmem>>, vector<16xf32>,
    %get3A_678 = vector.shape_cast %get3A_677 : vector<16xf32> to vector<16xf32>
    %sub3A_679 = arith.subf %broadcast_in_dim3A_427, %get3A_678 : vector<16xf32>
    %get3A_680 = arith.constant 560 : index
    %get3A_681 = tpu.vector_load %arg5[%get3A_680] {strides = array<i32>} : memref<768xf32, #tpu.memory_space<vmem>>, vector<16xf32>,
    %get3A_682 = vector.shape_cast %get3A_681 : vector<16xf32> to vector<16xf32>
    %sub3A_683 = arith.subf %broadcast_in_dim3A_430, %get3A_682 : vector<16xf32>
    %mul3A_684 = arith.mulf %sub3A_675, %sub3A_675 : vector<16xf32>
    %mul3A_685 = arith.mulf %sub3A_679, %sub3A_679 : vector<16xf32>
    %add3A_686 = arith.addf %mul3A_684, %mul3A_685 : vector<16xf32>
    %mul3A_687 = arith.mulf %sub3A_683, %sub3A_683 : vector<16xf32>
    %add3A_688 = arith.addf %add3A_686, %mul3A_687 : vector<16xf32>
    %neg3A_689 = arith.constant 0.000000e+00 : f32
    %neg3A_690 = vector.broadcast %neg3A_689 : f32 to vector<16xf32>
    %neg3A_691 = arith.subf %neg3A_690, %add3A_688 : vector<16xf32>
    %exp3A_692 = math.exp %neg3A_691 : vector<16xf32>
    %add3A_693 = arith.addf %add3A_671, %exp3A_692 : vector<16xf32>
    %get3A_694 = arith.constant 576 : index
    %get3A_695 = tpu.vector_load %arg5[%get3A_694] {strides = array<i32>} : memref<768xf32, #tpu.memory_space<vmem>>, vector<16xf32>,
    %get3A_696 = vector.shape_cast %get3A_695 : vector<16xf32> to vector<16xf32>
    %sub3A_697 = arith.subf %broadcast_in_dim3A_424, %get3A_696 : vector<16xf32>
    %get3A_698 = arith.constant 592 : index
    %get3A_699 = tpu.vector_load %arg5[%get3A_698] {strides = array<i32>} : memref<768xf32, #tpu.memory_space<vmem>>, vector<16xf32>,
    %get3A_700 = vector.shape_cast %get3A_699 : vector<16xf32> to vector<16xf32>
    %sub3A_701 = arith.subf %broadcast_in_dim3A_427, %get3A_700 : vector<16xf32>
    %get3A_702 = arith.constant 608 : index
    %get3A_703 = tpu.vector_load %arg5[%get3A_702] {strides = array<i32>} : memref<768xf32, #tpu.memory_space<vmem>>, vector<16xf32>,
    %get3A_704 = vector.shape_cast %get3A_703 : vector<16xf32> to vector<16xf32>
    %sub3A_705 = arith.subf %broadcast_in_dim3A_430, %get3A_704 : vector<16xf32>
    %mul3A_706 = arith.mulf %sub3A_697, %sub3A_697 : vector<16xf32>
    %mul3A_707 = arith.mulf %sub3A_701, %sub3A_701 : vector<16xf32>
    %add3A_708 = arith.addf %mul3A_706, %mul3A_707 : vector<16xf32>
    %mul3A_709 = arith.mulf %sub3A_705, %sub3A_705 : vector<16xf32>
    %add3A_710 = arith.addf %add3A_708, %mul3A_709 : vector<16xf32>
    %neg3A_711 = arith.constant 0.000000e+00 : f32
    %neg3A_712 = vector.broadcast %neg3A_711 : f32 to vector<16xf32>
    %neg3A_713 = arith.subf %neg3A_712, %add3A_710 : vector<16xf32>
    %exp3A_714 = math.exp %neg3A_713 : vector<16xf32>
    %add3A_715 = arith.addf %add3A_693, %exp3A_714 : vector<16xf32>
    %get3A_716 = arith.constant 624 : index
    %get3A_717 = tpu.vector_load %arg5[%get3A_716] {strides = array<i32>} : memref<768xf32, #tpu.memory_space<vmem>>, vector<16xf32>,
    %get3A_718 = vector.shape_cast %get3A_717 : vector<16xf32> to vector<16xf32>
    %sub3A_719 = arith.subf %broadcast_in_dim3A_424, %get3A_718 : vector<16xf32>
    %get3A_720 = arith.constant 640 : index
    %get3A_721 = tpu.vector_load %arg5[%get3A_720] {strides = array<i32>} : memref<768xf32, #tpu.memory_space<vmem>>, vector<16xf32>,
    %get3A_722 = vector.shape_cast %get3A_721 : vector<16xf32> to vector<16xf32>
    %sub3A_723 = arith.subf %broadcast_in_dim3A_427, %get3A_722 : vector<16xf32>
    %get3A_724 = arith.constant 656 : index
    %get3A_725 = tpu.vector_load %arg5[%get3A_724] {strides = array<i32>} : memref<768xf32, #tpu.memory_space<vmem>>, vector<16xf32>,
    %get3A_726 = vector.shape_cast %get3A_725 : vector<16xf32> to vector<16xf32>
    %sub3A_727 = arith.subf %broadcast_in_dim3A_430, %get3A_726 : vector<16xf32>
    %mul3A_728 = arith.mulf %sub3A_719, %sub3A_719 : vector<16xf32>
    %mul3A_729 = arith.mulf %sub3A_723, %sub3A_723 : vector<16xf32>
    %add3A_730 = arith.addf %mul3A_728, %mul3A_729 : vector<16xf32>
    %mul3A_731 = arith.mulf %sub3A_727, %sub3A_727 : vector<16xf32>
    %add3A_732 = arith.addf %add3A_730, %mul3A_731 : vector<16xf32>
    %neg3A_733 = arith.constant 0.000000e+00 : f32
    %neg3A_734 = vector.broadcast %neg3A_733 : f32 to vector<16xf32>
    %neg3A_735 = arith.subf %neg3A_734, %add3A_732 : vector<16xf32>
    %exp3A_736 = math.exp %neg3A_735 : vector<16xf32>
    %add3A_737 = arith.addf %add3A_715, %exp3A_736 : vector<16xf32>
    %get3A_738 = arith.constant 672 : index
    %get3A_739 = tpu.vector_load %arg5[%get3A_738] {strides = array<i32>} : memref<768xf32, #tpu.memory_space<vmem>>, vector<16xf32>,
    %get3A_740 = vector.shape_cast %get3A_739 : vector<16xf32> to vector<16xf32>
    %sub3A_741 = arith.subf %broadcast_in_dim3A_424, %get3A_740 : vector<16xf32>
    %get3A_742 = arith.constant 688 : index
    %get3A_743 = tpu.vector_load %arg5[%get3A_742] {strides = array<i32>} : memref<768xf32, #tpu.memory_space<vmem>>, vector<16xf32>,
    %get3A_744 = vector.shape_cast %get3A_743 : vector<16xf32> to vector<16xf32>
    %sub3A_745 = arith.subf %broadcast_in_dim3A_427, %get3A_744 : vector<16xf32>
    %get3A_746 = arith.constant 704 : index
    %get3A_747 = tpu.vector_load %arg5[%get3A_746] {strides = array<i32>} : memref<768xf32, #tpu.memory_space<vmem>>, vector<16xf32>,
    %get3A_748 = vector.shape_cast %get3A_747 : vector<16xf32> to vector<16xf32>
    %sub3A_749 = arith.subf %broadcast_in_dim3A_430, %get3A_748 : vector<16xf32>
    %mul3A_750 = arith.mulf %sub3A_741, %sub3A_741 : vector<16xf32>
    %mul3A_751 = arith.mulf %sub3A_745, %sub3A_745 : vector<16xf32>
    %add3A_752 = arith.addf %mul3A_750, %mul3A_751 : vector<16xf32>
    %mul3A_753 = arith.mulf %sub3A_749, %sub3A_749 : vector<16xf32>
    %add3A_754 = arith.addf %add3A_752, %mul3A_753 : vector<16xf32>
    %neg3A_755 = arith.constant 0.000000e+00 : f32
    %neg3A_756 = vector.broadcast %neg3A_755 : f32 to vector<16xf32>
    %neg3A_757 = arith.subf %neg3A_756, %add3A_754 : vector<16xf32>
    %exp3A_758 = math.exp %neg3A_757 : vector<16xf32>
    %add3A_759 = arith.addf %add3A_737, %exp3A_758 : vector<16xf32>
    %get3A_760 = arith.constant 720 : index
    %get3A_761 = tpu.vector_load %arg5[%get3A_760] {strides = array<i32>} : memref<768xf32, #tpu.memory_space<vmem>>, vector<16xf32>,
    %get3A_762 = vector.shape_cast %get3A_761 : vector<16xf32> to vector<16xf32>
    %sub3A_763 = arith.subf %broadcast_in_dim3A_424, %get3A_762 : vector<16xf32>
    %get3A_764 = arith.constant 736 : index
    %get3A_765 = tpu.vector_load %arg5[%get3A_764] {strides = array<i32>} : memref<768xf32, #tpu.memory_space<vmem>>, vector<16xf32>,
    %get3A_766 = vector.shape_cast %get3A_765 : vector<16xf32> to vector<16xf32>
    %sub3A_767 = arith.subf %broadcast_in_dim3A_427, %get3A_766 : vector<16xf32>
    %get3A_768 = arith.constant 752 : index
    %get3A_769 = tpu.vector_load %arg5[%get3A_768] {strides = array<i32>} : memref<768xf32, #tpu.memory_space<vmem>>, vector<16xf32>,
    %get3A_770 = vector.shape_cast %get3A_769 : vector<16xf32> to vector<16xf32>
    %sub3A_771 = arith.subf %broadcast_in_dim3A_430, %get3A_770 : vector<16xf32>
    %mul3A_772 = arith.mulf %sub3A_763, %sub3A_763 : vector<16xf32>
    %mul3A_773 = arith.mulf %sub3A_767, %sub3A_767 : vector<16xf32>
    %add3A_774 = arith.addf %mul3A_772, %mul3A_773 : vector<16xf32>
    %mul3A_775 = arith.mulf %sub3A_771, %sub3A_771 : vector<16xf32>
    %add3A_776 = arith.addf %add3A_774, %mul3A_775 : vector<16xf32>
    %neg3A_777 = arith.constant 0.000000e+00 : f32
    %neg3A_778 = vector.broadcast %neg3A_777 : f32 to vector<16xf32>
    %neg3A_779 = arith.subf %neg3A_778, %add3A_776 : vector<16xf32>
    %exp3A_780 = math.exp %neg3A_779 : vector<16xf32>
    %add3A_781 = arith.addf %add3A_759, %exp3A_780 : vector<16xf32>
    %mul3A_782 = arith.constant 7.812500e-03 : f32
    %mul3A_783 = vector.broadcast %mul3A_782 : f32 to vector<16xf32>
    %mul3A_784 = arith.mulf %add3A_781, %mul3A_783 : vector<16xf32>
    %swap3A_785 = arith.constant 0 : index
    %swap3A_786 = tpu.vector_load %arg6[%swap3A_785] {strides = array<i32>} : memref<16xf32, #tpu.memory_space<vmem>>, vector<16xf32>,
    %swap3A_787 = vector.shape_cast %swap3A_786 : vector<16xf32> to vector<16xf32>
    %swap3A_788 = vector.shape_cast %mul3A_784 : vector<16xf32> to vector<16xf32>
    tpu.vector_store %arg6[%swap3A_785], %swap3A_788 {strides = array<i32>} : memref<16xf32, #tpu.memory_space<vmem>>, vector<16xf32>,
    %mul3A_789 = arith.constant 16 : i32
    %mul3A_790 = arith.muli %select_n3A_7, %mul3A_789 : i32
    "tpu.region"() ({
      %run_scoped3A = tpu.sem_alloc : memref<!tpu.dma_semaphore, #tpu.memory_space<semaphore_mem>>
      %dma_start3A_794 = tpu.memref_slice %arg3[%add3A_416, %mul3A_790] : memref<10x64xf32, #tpu.memory_space<hbm>> -> memref<1x16xf32, #tpu.memory_space<hbm>>
      %dma_start3A_795 = tpu.memref_squeeze %dma_start3A_794 : memref<1x16xf32, #tpu.memory_space<hbm>> -> memref<16xf32, #tpu.memory_space<hbm>>
      %dma_start3A_796 = tpu.memref_slice %arg3[%add3A_416, %mul3A_790] : memref<10x64xf32, #tpu.memory_space<hbm>> -> memref<1x16xf32, #tpu.memory_space<hbm>>
      %dma_start3A_797 = tpu.memref_squeeze %dma_start3A_796 : memref<1x16xf32, #tpu.memory_space<hbm>> -> memref<16xf32, #tpu.memory_space<hbm>>
      tpu.enqueue_dma source(%arg6 : memref<16xf32, #tpu.memory_space<vmem>>) target(%dma_start3A_797 : memref<16xf32, #tpu.memory_space<hbm>>) target_semaphore(%run_scoped3A : memref<!tpu.dma_semaphore, #tpu.memory_space<semaphore_mem>>)
      %dma_wait3A_798 = tpu.memref_slice %arg3[%add3A_416, %mul3A_790] : memref<10x64xf32, #tpu.memory_space<hbm>> -> memref<1x16xf32, #tpu.memory_space<hbm>>
      %dma_wait3A_799 = tpu.memref_squeeze %dma_wait3A_798 : memref<1x16xf32, #tpu.memory_space<hbm>> -> memref<16xf32, #tpu.memory_space<hbm>>
      %dma_wait3A_800 = tpu.memref_slice %arg3[%add3A_416, %mul3A_790] : memref<10x64xf32, #tpu.memory_space<hbm>> -> memref<1x16xf32, #tpu.memory_space<hbm>>
      %dma_wait3A_801 = tpu.memref_squeeze %dma_wait3A_800 : memref<1x16xf32, #tpu.memory_space<hbm>> -> memref<16xf32, #tpu.memory_space<hbm>>
      tpu.wait_dma2 semaphore(%run_scoped3A : memref<!tpu.dma_semaphore, #tpu.memory_space<semaphore_mem>>) src(%arg6 : memref<16xf32, #tpu.memory_space<vmem>>) dst(%dma_wait3A_801 : memref<16xf32, #tpu.memory_space<hbm>>)
      tpu.yield
    }) : () -> ()
    %lt3A_791 = arith.constant 8 : i32
    %lt3A_792 = arith.cmpi slt, %arg1, %lt3A_791 : i32
    %convert_element_type3A = arith.extui %lt3A_792 : i1 to i32
    %cond3A = arith.constant 0 : i32
    %cond3A_793 = arith.cmpi ne, %convert_element_type3A, %cond3A : i32
    scf.if %cond3A_793 {
      %add3A_794 = arith.constant 8 : i32
      %add3A_795 = arith.addi %select_n3A_28, %add3A_794 : i32
      %mul3A_796 = arith.constant 3 : i32
      %mul3A_797 = arith.muli %add3A_795, %mul3A_796 : i32
      %get3A_798 = arith.index_cast %mul3A_797 : i32 to index
      %get3A_799 = tpu.vector_load %arg4[%get3A_798] {strides = array<i32>} : memref<48xf32, #tpu.memory_space<vmem>>, vector<16xf32>,
      %get3A_800 = vector.shape_cast %get3A_799 : vector<16xf32> to vector<16xf32>
      %slice3A_801 = vector.extract_strided_slice %get3A_800 {offsets = [0], sizes = [1], strides = [1]} : vector<16xf32> to vector<1xf32>
      %squeeze3A_802 = vector.extract %slice3A_801[0] : f32 from vector<1xf32>
      %broadcast_in_dim3A_803 = vector.broadcast %squeeze3A_802 : f32 to vector<16xf32>
      %slice3A_804 = vector.extract_strided_slice %get3A_800 {offsets = [1], sizes = [1], strides = [1]} : vector<16xf32> to vector<1xf32>
      %squeeze3A_805 = vector.extract %slice3A_804[0] : f32 from vector<1xf32>
      %broadcast_in_dim3A_806 = vector.broadcast %squeeze3A_805 : f32 to vector<16xf32>
      %slice3A_807 = vector.extract_strided_slice %get3A_800 {offsets = [2], sizes = [1], strides = [1]} : vector<16xf32> to vector<1xf32>
      %squeeze3A_808 = vector.extract %slice3A_807[0] : f32 from vector<1xf32>
      %broadcast_in_dim3A_809 = vector.broadcast %squeeze3A_808 : f32 to vector<16xf32>
      %get3A_810 = arith.constant 0 : index
      %get3A_811 = tpu.vector_load %arg5[%get3A_810] {strides = array<i32>} : memref<768xf32, #tpu.memory_space<vmem>>, vector<16xf32>,
      %get3A_812 = vector.shape_cast %get3A_811 : vector<16xf32> to vector<16xf32>
      %sub3A_813 = arith.subf %broadcast_in_dim3A_803, %get3A_812 : vector<16xf32>
      %get3A_814 = arith.constant 16 : index
      %get3A_815 = tpu.vector_load %arg5[%get3A_814] {strides = array<i32>} : memref<768xf32, #tpu.memory_space<vmem>>, vector<16xf32>,
      %get3A_816 = vector.shape_cast %get3A_815 : vector<16xf32> to vector<16xf32>
      %sub3A_817 = arith.subf %broadcast_in_dim3A_806, %get3A_816 : vector<16xf32>
      %get3A_818 = arith.constant 32 : index
      %get3A_819 = tpu.vector_load %arg5[%get3A_818] {strides = array<i32>} : memref<768xf32, #tpu.memory_space<vmem>>, vector<16xf32>,
      %get3A_820 = vector.shape_cast %get3A_819 : vector<16xf32> to vector<16xf32>
      %sub3A_821 = arith.subf %broadcast_in_dim3A_809, %get3A_820 : vector<16xf32>
      %mul3A_822 = arith.mulf %sub3A_813, %sub3A_813 : vector<16xf32>
      %mul3A_823 = arith.mulf %sub3A_817, %sub3A_817 : vector<16xf32>
      %add3A_824 = arith.addf %mul3A_822, %mul3A_823 : vector<16xf32>
      %mul3A_825 = arith.mulf %sub3A_821, %sub3A_821 : vector<16xf32>
      %add3A_826 = arith.addf %add3A_824, %mul3A_825 : vector<16xf32>
      %neg3A_827 = arith.constant 0.000000e+00 : f32
      %neg3A_828 = vector.broadcast %neg3A_827 : f32 to vector<16xf32>
      %neg3A_829 = arith.subf %neg3A_828, %add3A_826 : vector<16xf32>
      %exp3A_830 = math.exp %neg3A_829 : vector<16xf32>
      %get3A_831 = arith.constant 48 : index
      %get3A_832 = tpu.vector_load %arg5[%get3A_831] {strides = array<i32>} : memref<768xf32, #tpu.memory_space<vmem>>, vector<16xf32>,
      %get3A_833 = vector.shape_cast %get3A_832 : vector<16xf32> to vector<16xf32>
      %sub3A_834 = arith.subf %broadcast_in_dim3A_803, %get3A_833 : vector<16xf32>
      %get3A_835 = arith.constant 64 : index
      %get3A_836 = tpu.vector_load %arg5[%get3A_835] {strides = array<i32>} : memref<768xf32, #tpu.memory_space<vmem>>, vector<16xf32>,
      %get3A_837 = vector.shape_cast %get3A_836 : vector<16xf32> to vector<16xf32>
      %sub3A_838 = arith.subf %broadcast_in_dim3A_806, %get3A_837 : vector<16xf32>
      %get3A_839 = arith.constant 80 : index
      %get3A_840 = tpu.vector_load %arg5[%get3A_839] {strides = array<i32>} : memref<768xf32, #tpu.memory_space<vmem>>, vector<16xf32>,
      %get3A_841 = vector.shape_cast %get3A_840 : vector<16xf32> to vector<16xf32>
      %sub3A_842 = arith.subf %broadcast_in_dim3A_809, %get3A_841 : vector<16xf32>
      %mul3A_843 = arith.mulf %sub3A_834, %sub3A_834 : vector<16xf32>
      %mul3A_844 = arith.mulf %sub3A_838, %sub3A_838 : vector<16xf32>
      %add3A_845 = arith.addf %mul3A_843, %mul3A_844 : vector<16xf32>
      %mul3A_846 = arith.mulf %sub3A_842, %sub3A_842 : vector<16xf32>
      %add3A_847 = arith.addf %add3A_845, %mul3A_846 : vector<16xf32>
      %neg3A_848 = arith.constant 0.000000e+00 : f32
      %neg3A_849 = vector.broadcast %neg3A_848 : f32 to vector<16xf32>
      %neg3A_850 = arith.subf %neg3A_849, %add3A_847 : vector<16xf32>
      %exp3A_851 = math.exp %neg3A_850 : vector<16xf32>
      %add3A_852 = arith.addf %exp3A_830, %exp3A_851 : vector<16xf32>
      %get3A_853 = arith.constant 96 : index
      %get3A_854 = tpu.vector_load %arg5[%get3A_853] {strides = array<i32>} : memref<768xf32, #tpu.memory_space<vmem>>, vector<16xf32>,
      %get3A_855 = vector.shape_cast %get3A_854 : vector<16xf32> to vector<16xf32>
      %sub3A_856 = arith.subf %broadcast_in_dim3A_803, %get3A_855 : vector<16xf32>
      %get3A_857 = arith.constant 112 : index
      %get3A_858 = tpu.vector_load %arg5[%get3A_857] {strides = array<i32>} : memref<768xf32, #tpu.memory_space<vmem>>, vector<16xf32>,
      %get3A_859 = vector.shape_cast %get3A_858 : vector<16xf32> to vector<16xf32>
      %sub3A_860 = arith.subf %broadcast_in_dim3A_806, %get3A_859 : vector<16xf32>
      %get3A_861 = arith.constant 128 : index
      %get3A_862 = tpu.vector_load %arg5[%get3A_861] {strides = array<i32>} : memref<768xf32, #tpu.memory_space<vmem>>, vector<16xf32>,
      %get3A_863 = vector.shape_cast %get3A_862 : vector<16xf32> to vector<16xf32>
      %sub3A_864 = arith.subf %broadcast_in_dim3A_809, %get3A_863 : vector<16xf32>
      %mul3A_865 = arith.mulf %sub3A_856, %sub3A_856 : vector<16xf32>
      %mul3A_866 = arith.mulf %sub3A_860, %sub3A_860 : vector<16xf32>
      %add3A_867 = arith.addf %mul3A_865, %mul3A_866 : vector<16xf32>
      %mul3A_868 = arith.mulf %sub3A_864, %sub3A_864 : vector<16xf32>
      %add3A_869 = arith.addf %add3A_867, %mul3A_868 : vector<16xf32>
      %neg3A_870 = arith.constant 0.000000e+00 : f32
      %neg3A_871 = vector.broadcast %neg3A_870 : f32 to vector<16xf32>
      %neg3A_872 = arith.subf %neg3A_871, %add3A_869 : vector<16xf32>
      %exp3A_873 = math.exp %neg3A_872 : vector<16xf32>
      %add3A_874 = arith.addf %add3A_852, %exp3A_873 : vector<16xf32>
      %get3A_875 = arith.constant 144 : index
      %get3A_876 = tpu.vector_load %arg5[%get3A_875] {strides = array<i32>} : memref<768xf32, #tpu.memory_space<vmem>>, vector<16xf32>,
      %get3A_877 = vector.shape_cast %get3A_876 : vector<16xf32> to vector<16xf32>
      %sub3A_878 = arith.subf %broadcast_in_dim3A_803, %get3A_877 : vector<16xf32>
      %get3A_879 = arith.constant 160 : index
      %get3A_880 = tpu.vector_load %arg5[%get3A_879] {strides = array<i32>} : memref<768xf32, #tpu.memory_space<vmem>>, vector<16xf32>,
      %get3A_881 = vector.shape_cast %get3A_880 : vector<16xf32> to vector<16xf32>
      %sub3A_882 = arith.subf %broadcast_in_dim3A_806, %get3A_881 : vector<16xf32>
      %get3A_883 = arith.constant 176 : index
      %get3A_884 = tpu.vector_load %arg5[%get3A_883] {strides = array<i32>} : memref<768xf32, #tpu.memory_space<vmem>>, vector<16xf32>,
      %get3A_885 = vector.shape_cast %get3A_884 : vector<16xf32> to vector<16xf32>
      %sub3A_886 = arith.subf %broadcast_in_dim3A_809, %get3A_885 : vector<16xf32>
      %mul3A_887 = arith.mulf %sub3A_878, %sub3A_878 : vector<16xf32>
      %mul3A_888 = arith.mulf %sub3A_882, %sub3A_882 : vector<16xf32>
      %add3A_889 = arith.addf %mul3A_887, %mul3A_888 : vector<16xf32>
      %mul3A_890 = arith.mulf %sub3A_886, %sub3A_886 : vector<16xf32>
      %add3A_891 = arith.addf %add3A_889, %mul3A_890 : vector<16xf32>
      %neg3A_892 = arith.constant 0.000000e+00 : f32
      %neg3A_893 = vector.broadcast %neg3A_892 : f32 to vector<16xf32>
      %neg3A_894 = arith.subf %neg3A_893, %add3A_891 : vector<16xf32>
      %exp3A_895 = math.exp %neg3A_894 : vector<16xf32>
      %add3A_896 = arith.addf %add3A_874, %exp3A_895 : vector<16xf32>
      %get3A_897 = arith.constant 192 : index
      %get3A_898 = tpu.vector_load %arg5[%get3A_897] {strides = array<i32>} : memref<768xf32, #tpu.memory_space<vmem>>, vector<16xf32>,
      %get3A_899 = vector.shape_cast %get3A_898 : vector<16xf32> to vector<16xf32>
      %sub3A_900 = arith.subf %broadcast_in_dim3A_803, %get3A_899 : vector<16xf32>
      %get3A_901 = arith.constant 208 : index
      %get3A_902 = tpu.vector_load %arg5[%get3A_901] {strides = array<i32>} : memref<768xf32, #tpu.memory_space<vmem>>, vector<16xf32>,
      %get3A_903 = vector.shape_cast %get3A_902 : vector<16xf32> to vector<16xf32>
      %sub3A_904 = arith.subf %broadcast_in_dim3A_806, %get3A_903 : vector<16xf32>
      %get3A_905 = arith.constant 224 : index
      %get3A_906 = tpu.vector_load %arg5[%get3A_905] {strides = array<i32>} : memref<768xf32, #tpu.memory_space<vmem>>, vector<16xf32>,
      %get3A_907 = vector.shape_cast %get3A_906 : vector<16xf32> to vector<16xf32>
      %sub3A_908 = arith.subf %broadcast_in_dim3A_809, %get3A_907 : vector<16xf32>
      %mul3A_909 = arith.mulf %sub3A_900, %sub3A_900 : vector<16xf32>
      %mul3A_910 = arith.mulf %sub3A_904, %sub3A_904 : vector<16xf32>
      %add3A_911 = arith.addf %mul3A_909, %mul3A_910 : vector<16xf32>
      %mul3A_912 = arith.mulf %sub3A_908, %sub3A_908 : vector<16xf32>
      %add3A_913 = arith.addf %add3A_911, %mul3A_912 : vector<16xf32>
      %neg3A_914 = arith.constant 0.000000e+00 : f32
      %neg3A_915 = vector.broadcast %neg3A_914 : f32 to vector<16xf32>
      %neg3A_916 = arith.subf %neg3A_915, %add3A_913 : vector<16xf32>
      %exp3A_917 = math.exp %neg3A_916 : vector<16xf32>
      %add3A_918 = arith.addf %add3A_896, %exp3A_917 : vector<16xf32>
      %get3A_919 = arith.constant 240 : index
      %get3A_920 = tpu.vector_load %arg5[%get3A_919] {strides = array<i32>} : memref<768xf32, #tpu.memory_space<vmem>>, vector<16xf32>,
      %get3A_921 = vector.shape_cast %get3A_920 : vector<16xf32> to vector<16xf32>
      %sub3A_922 = arith.subf %broadcast_in_dim3A_803, %get3A_921 : vector<16xf32>
      %get3A_923 = arith.constant 256 : index
      %get3A_924 = tpu.vector_load %arg5[%get3A_923] {strides = array<i32>} : memref<768xf32, #tpu.memory_space<vmem>>, vector<16xf32>,
      %get3A_925 = vector.shape_cast %get3A_924 : vector<16xf32> to vector<16xf32>
      %sub3A_926 = arith.subf %broadcast_in_dim3A_806, %get3A_925 : vector<16xf32>
      %get3A_927 = arith.constant 272 : index
      %get3A_928 = tpu.vector_load %arg5[%get3A_927] {strides = array<i32>} : memref<768xf32, #tpu.memory_space<vmem>>, vector<16xf32>,
      %get3A_929 = vector.shape_cast %get3A_928 : vector<16xf32> to vector<16xf32>
      %sub3A_930 = arith.subf %broadcast_in_dim3A_809, %get3A_929 : vector<16xf32>
      %mul3A_931 = arith.mulf %sub3A_922, %sub3A_922 : vector<16xf32>
      %mul3A_932 = arith.mulf %sub3A_926, %sub3A_926 : vector<16xf32>
      %add3A_933 = arith.addf %mul3A_931, %mul3A_932 : vector<16xf32>
      %mul3A_934 = arith.mulf %sub3A_930, %sub3A_930 : vector<16xf32>
      %add3A_935 = arith.addf %add3A_933, %mul3A_934 : vector<16xf32>
      %neg3A_936 = arith.constant 0.000000e+00 : f32
      %neg3A_937 = vector.broadcast %neg3A_936 : f32 to vector<16xf32>
      %neg3A_938 = arith.subf %neg3A_937, %add3A_935 : vector<16xf32>
      %exp3A_939 = math.exp %neg3A_938 : vector<16xf32>
      %add3A_940 = arith.addf %add3A_918, %exp3A_939 : vector<16xf32>
      %get3A_941 = arith.constant 288 : index
      %get3A_942 = tpu.vector_load %arg5[%get3A_941] {strides = array<i32>} : memref<768xf32, #tpu.memory_space<vmem>>, vector<16xf32>,
      %get3A_943 = vector.shape_cast %get3A_942 : vector<16xf32> to vector<16xf32>
      %sub3A_944 = arith.subf %broadcast_in_dim3A_803, %get3A_943 : vector<16xf32>
      %get3A_945 = arith.constant 304 : index
      %get3A_946 = tpu.vector_load %arg5[%get3A_945] {strides = array<i32>} : memref<768xf32, #tpu.memory_space<vmem>>, vector<16xf32>,
      %get3A_947 = vector.shape_cast %get3A_946 : vector<16xf32> to vector<16xf32>
      %sub3A_948 = arith.subf %broadcast_in_dim3A_806, %get3A_947 : vector<16xf32>
      %get3A_949 = arith.constant 320 : index
      %get3A_950 = tpu.vector_load %arg5[%get3A_949] {strides = array<i32>} : memref<768xf32, #tpu.memory_space<vmem>>, vector<16xf32>,
      %get3A_951 = vector.shape_cast %get3A_950 : vector<16xf32> to vector<16xf32>
      %sub3A_952 = arith.subf %broadcast_in_dim3A_809, %get3A_951 : vector<16xf32>
      %mul3A_953 = arith.mulf %sub3A_944, %sub3A_944 : vector<16xf32>
      %mul3A_954 = arith.mulf %sub3A_948, %sub3A_948 : vector<16xf32>
      %add3A_955 = arith.addf %mul3A_953, %mul3A_954 : vector<16xf32>
      %mul3A_956 = arith.mulf %sub3A_952, %sub3A_952 : vector<16xf32>
      %add3A_957 = arith.addf %add3A_955, %mul3A_956 : vector<16xf32>
      %neg3A_958 = arith.constant 0.000000e+00 : f32
      %neg3A_959 = vector.broadcast %neg3A_958 : f32 to vector<16xf32>
      %neg3A_960 = arith.subf %neg3A_959, %add3A_957 : vector<16xf32>
      %exp3A_961 = math.exp %neg3A_960 : vector<16xf32>
      %add3A_962 = arith.addf %add3A_940, %exp3A_961 : vector<16xf32>
      %get3A_963 = arith.constant 336 : index
      %get3A_964 = tpu.vector_load %arg5[%get3A_963] {strides = array<i32>} : memref<768xf32, #tpu.memory_space<vmem>>, vector<16xf32>,
      %get3A_965 = vector.shape_cast %get3A_964 : vector<16xf32> to vector<16xf32>
      %sub3A_966 = arith.subf %broadcast_in_dim3A_803, %get3A_965 : vector<16xf32>
      %get3A_967 = arith.constant 352 : index
      %get3A_968 = tpu.vector_load %arg5[%get3A_967] {strides = array<i32>} : memref<768xf32, #tpu.memory_space<vmem>>, vector<16xf32>,
      %get3A_969 = vector.shape_cast %get3A_968 : vector<16xf32> to vector<16xf32>
      %sub3A_970 = arith.subf %broadcast_in_dim3A_806, %get3A_969 : vector<16xf32>
      %get3A_971 = arith.constant 368 : index
      %get3A_972 = tpu.vector_load %arg5[%get3A_971] {strides = array<i32>} : memref<768xf32, #tpu.memory_space<vmem>>, vector<16xf32>,
      %get3A_973 = vector.shape_cast %get3A_972 : vector<16xf32> to vector<16xf32>
      %sub3A_974 = arith.subf %broadcast_in_dim3A_809, %get3A_973 : vector<16xf32>
      %mul3A_975 = arith.mulf %sub3A_966, %sub3A_966 : vector<16xf32>
      %mul3A_976 = arith.mulf %sub3A_970, %sub3A_970 : vector<16xf32>
      %add3A_977 = arith.addf %mul3A_975, %mul3A_976 : vector<16xf32>
      %mul3A_978 = arith.mulf %sub3A_974, %sub3A_974 : vector<16xf32>
      %add3A_979 = arith.addf %add3A_977, %mul3A_978 : vector<16xf32>
      %neg3A_980 = arith.constant 0.000000e+00 : f32
      %neg3A_981 = vector.broadcast %neg3A_980 : f32 to vector<16xf32>
      %neg3A_982 = arith.subf %neg3A_981, %add3A_979 : vector<16xf32>
      %exp3A_983 = math.exp %neg3A_982 : vector<16xf32>
      %add3A_984 = arith.addf %add3A_962, %exp3A_983 : vector<16xf32>
      %get3A_985 = arith.constant 384 : index
      %get3A_986 = tpu.vector_load %arg5[%get3A_985] {strides = array<i32>} : memref<768xf32, #tpu.memory_space<vmem>>, vector<16xf32>,
      %get3A_987 = vector.shape_cast %get3A_986 : vector<16xf32> to vector<16xf32>
      %sub3A_988 = arith.subf %broadcast_in_dim3A_803, %get3A_987 : vector<16xf32>
      %get3A_989 = arith.constant 400 : index
      %get3A_990 = tpu.vector_load %arg5[%get3A_989] {strides = array<i32>} : memref<768xf32, #tpu.memory_space<vmem>>, vector<16xf32>,
      %get3A_991 = vector.shape_cast %get3A_990 : vector<16xf32> to vector<16xf32>
      %sub3A_992 = arith.subf %broadcast_in_dim3A_806, %get3A_991 : vector<16xf32>
      %get3A_993 = arith.constant 416 : index
      %get3A_994 = tpu.vector_load %arg5[%get3A_993] {strides = array<i32>} : memref<768xf32, #tpu.memory_space<vmem>>, vector<16xf32>,
      %get3A_995 = vector.shape_cast %get3A_994 : vector<16xf32> to vector<16xf32>
      %sub3A_996 = arith.subf %broadcast_in_dim3A_809, %get3A_995 : vector<16xf32>
      %mul3A_997 = arith.mulf %sub3A_988, %sub3A_988 : vector<16xf32>
      %mul3A_998 = arith.mulf %sub3A_992, %sub3A_992 : vector<16xf32>
      %add3A_999 = arith.addf %mul3A_997, %mul3A_998 : vector<16xf32>
      %mul3A_1000 = arith.mulf %sub3A_996, %sub3A_996 : vector<16xf32>
      %add3A_1001 = arith.addf %add3A_999, %mul3A_1000 : vector<16xf32>
      %neg3A_1002 = arith.constant 0.000000e+00 : f32
      %neg3A_1003 = vector.broadcast %neg3A_1002 : f32 to vector<16xf32>
      %neg3A_1004 = arith.subf %neg3A_1003, %add3A_1001 : vector<16xf32>
      %exp3A_1005 = math.exp %neg3A_1004 : vector<16xf32>
      %add3A_1006 = arith.addf %add3A_984, %exp3A_1005 : vector<16xf32>
      %get3A_1007 = arith.constant 432 : index
      %get3A_1008 = tpu.vector_load %arg5[%get3A_1007] {strides = array<i32>} : memref<768xf32, #tpu.memory_space<vmem>>, vector<16xf32>,
      %get3A_1009 = vector.shape_cast %get3A_1008 : vector<16xf32> to vector<16xf32>
      %sub3A_1010 = arith.subf %broadcast_in_dim3A_803, %get3A_1009 : vector<16xf32>
      %get3A_1011 = arith.constant 448 : index
      %get3A_1012 = tpu.vector_load %arg5[%get3A_1011] {strides = array<i32>} : memref<768xf32, #tpu.memory_space<vmem>>, vector<16xf32>,
      %get3A_1013 = vector.shape_cast %get3A_1012 : vector<16xf32> to vector<16xf32>
      %sub3A_1014 = arith.subf %broadcast_in_dim3A_806, %get3A_1013 : vector<16xf32>
      %get3A_1015 = arith.constant 464 : index
      %get3A_1016 = tpu.vector_load %arg5[%get3A_1015] {strides = array<i32>} : memref<768xf32, #tpu.memory_space<vmem>>, vector<16xf32>,
      %get3A_1017 = vector.shape_cast %get3A_1016 : vector<16xf32> to vector<16xf32>
      %sub3A_1018 = arith.subf %broadcast_in_dim3A_809, %get3A_1017 : vector<16xf32>
      %mul3A_1019 = arith.mulf %sub3A_1010, %sub3A_1010 : vector<16xf32>
      %mul3A_1020 = arith.mulf %sub3A_1014, %sub3A_1014 : vector<16xf32>
      %add3A_1021 = arith.addf %mul3A_1019, %mul3A_1020 : vector<16xf32>
      %mul3A_1022 = arith.mulf %sub3A_1018, %sub3A_1018 : vector<16xf32>
      %add3A_1023 = arith.addf %add3A_1021, %mul3A_1022 : vector<16xf32>
      %neg3A_1024 = arith.constant 0.000000e+00 : f32
      %neg3A_1025 = vector.broadcast %neg3A_1024 : f32 to vector<16xf32>
      %neg3A_1026 = arith.subf %neg3A_1025, %add3A_1023 : vector<16xf32>
      %exp3A_1027 = math.exp %neg3A_1026 : vector<16xf32>
      %add3A_1028 = arith.addf %add3A_1006, %exp3A_1027 : vector<16xf32>
      %get3A_1029 = arith.constant 480 : index
      %get3A_1030 = tpu.vector_load %arg5[%get3A_1029] {strides = array<i32>} : memref<768xf32, #tpu.memory_space<vmem>>, vector<16xf32>,
      %get3A_1031 = vector.shape_cast %get3A_1030 : vector<16xf32> to vector<16xf32>
      %sub3A_1032 = arith.subf %broadcast_in_dim3A_803, %get3A_1031 : vector<16xf32>
      %get3A_1033 = arith.constant 496 : index
      %get3A_1034 = tpu.vector_load %arg5[%get3A_1033] {strides = array<i32>} : memref<768xf32, #tpu.memory_space<vmem>>, vector<16xf32>,
      %get3A_1035 = vector.shape_cast %get3A_1034 : vector<16xf32> to vector<16xf32>
      %sub3A_1036 = arith.subf %broadcast_in_dim3A_806, %get3A_1035 : vector<16xf32>
      %get3A_1037 = arith.constant 512 : index
      %get3A_1038 = tpu.vector_load %arg5[%get3A_1037] {strides = array<i32>} : memref<768xf32, #tpu.memory_space<vmem>>, vector<16xf32>,
      %get3A_1039 = vector.shape_cast %get3A_1038 : vector<16xf32> to vector<16xf32>
      %sub3A_1040 = arith.subf %broadcast_in_dim3A_809, %get3A_1039 : vector<16xf32>
      %mul3A_1041 = arith.mulf %sub3A_1032, %sub3A_1032 : vector<16xf32>
      %mul3A_1042 = arith.mulf %sub3A_1036, %sub3A_1036 : vector<16xf32>
      %add3A_1043 = arith.addf %mul3A_1041, %mul3A_1042 : vector<16xf32>
      %mul3A_1044 = arith.mulf %sub3A_1040, %sub3A_1040 : vector<16xf32>
      %add3A_1045 = arith.addf %add3A_1043, %mul3A_1044 : vector<16xf32>
      %neg3A_1046 = arith.constant 0.000000e+00 : f32
      %neg3A_1047 = vector.broadcast %neg3A_1046 : f32 to vector<16xf32>
      %neg3A_1048 = arith.subf %neg3A_1047, %add3A_1045 : vector<16xf32>
      %exp3A_1049 = math.exp %neg3A_1048 : vector<16xf32>
      %add3A_1050 = arith.addf %add3A_1028, %exp3A_1049 : vector<16xf32>
      %get3A_1051 = arith.constant 528 : index
      %get3A_1052 = tpu.vector_load %arg5[%get3A_1051] {strides = array<i32>} : memref<768xf32, #tpu.memory_space<vmem>>, vector<16xf32>,
      %get3A_1053 = vector.shape_cast %get3A_1052 : vector<16xf32> to vector<16xf32>
      %sub3A_1054 = arith.subf %broadcast_in_dim3A_803, %get3A_1053 : vector<16xf32>
      %get3A_1055 = arith.constant 544 : index
      %get3A_1056 = tpu.vector_load %arg5[%get3A_1055] {strides = array<i32>} : memref<768xf32, #tpu.memory_space<vmem>>, vector<16xf32>,
      %get3A_1057 = vector.shape_cast %get3A_1056 : vector<16xf32> to vector<16xf32>
      %sub3A_1058 = arith.subf %broadcast_in_dim3A_806, %get3A_1057 : vector<16xf32>
      %get3A_1059 = arith.constant 560 : index
      %get3A_1060 = tpu.vector_load %arg5[%get3A_1059] {strides = array<i32>} : memref<768xf32, #tpu.memory_space<vmem>>, vector<16xf32>,
      %get3A_1061 = vector.shape_cast %get3A_1060 : vector<16xf32> to vector<16xf32>
      %sub3A_1062 = arith.subf %broadcast_in_dim3A_809, %get3A_1061 : vector<16xf32>
      %mul3A_1063 = arith.mulf %sub3A_1054, %sub3A_1054 : vector<16xf32>
      %mul3A_1064 = arith.mulf %sub3A_1058, %sub3A_1058 : vector<16xf32>
      %add3A_1065 = arith.addf %mul3A_1063, %mul3A_1064 : vector<16xf32>
      %mul3A_1066 = arith.mulf %sub3A_1062, %sub3A_1062 : vector<16xf32>
      %add3A_1067 = arith.addf %add3A_1065, %mul3A_1066 : vector<16xf32>
      %neg3A_1068 = arith.constant 0.000000e+00 : f32
      %neg3A_1069 = vector.broadcast %neg3A_1068 : f32 to vector<16xf32>
      %neg3A_1070 = arith.subf %neg3A_1069, %add3A_1067 : vector<16xf32>
      %exp3A_1071 = math.exp %neg3A_1070 : vector<16xf32>
      %add3A_1072 = arith.addf %add3A_1050, %exp3A_1071 : vector<16xf32>
      %get3A_1073 = arith.constant 576 : index
      %get3A_1074 = tpu.vector_load %arg5[%get3A_1073] {strides = array<i32>} : memref<768xf32, #tpu.memory_space<vmem>>, vector<16xf32>,
      %get3A_1075 = vector.shape_cast %get3A_1074 : vector<16xf32> to vector<16xf32>
      %sub3A_1076 = arith.subf %broadcast_in_dim3A_803, %get3A_1075 : vector<16xf32>
      %get3A_1077 = arith.constant 592 : index
      %get3A_1078 = tpu.vector_load %arg5[%get3A_1077] {strides = array<i32>} : memref<768xf32, #tpu.memory_space<vmem>>, vector<16xf32>,
      %get3A_1079 = vector.shape_cast %get3A_1078 : vector<16xf32> to vector<16xf32>
      %sub3A_1080 = arith.subf %broadcast_in_dim3A_806, %get3A_1079 : vector<16xf32>
      %get3A_1081 = arith.constant 608 : index
      %get3A_1082 = tpu.vector_load %arg5[%get3A_1081] {strides = array<i32>} : memref<768xf32, #tpu.memory_space<vmem>>, vector<16xf32>,
      %get3A_1083 = vector.shape_cast %get3A_1082 : vector<16xf32> to vector<16xf32>
      %sub3A_1084 = arith.subf %broadcast_in_dim3A_809, %get3A_1083 : vector<16xf32>
      %mul3A_1085 = arith.mulf %sub3A_1076, %sub3A_1076 : vector<16xf32>
      %mul3A_1086 = arith.mulf %sub3A_1080, %sub3A_1080 : vector<16xf32>
      %add3A_1087 = arith.addf %mul3A_1085, %mul3A_1086 : vector<16xf32>
      %mul3A_1088 = arith.mulf %sub3A_1084, %sub3A_1084 : vector<16xf32>
      %add3A_1089 = arith.addf %add3A_1087, %mul3A_1088 : vector<16xf32>
      %neg3A_1090 = arith.constant 0.000000e+00 : f32
      %neg3A_1091 = vector.broadcast %neg3A_1090 : f32 to vector<16xf32>
      %neg3A_1092 = arith.subf %neg3A_1091, %add3A_1089 : vector<16xf32>
      %exp3A_1093 = math.exp %neg3A_1092 : vector<16xf32>
      %add3A_1094 = arith.addf %add3A_1072, %exp3A_1093 : vector<16xf32>
      %get3A_1095 = arith.constant 624 : index
      %get3A_1096 = tpu.vector_load %arg5[%get3A_1095] {strides = array<i32>} : memref<768xf32, #tpu.memory_space<vmem>>, vector<16xf32>,
      %get3A_1097 = vector.shape_cast %get3A_1096 : vector<16xf32> to vector<16xf32>
      %sub3A_1098 = arith.subf %broadcast_in_dim3A_803, %get3A_1097 : vector<16xf32>
      %get3A_1099 = arith.constant 640 : index
      %get3A_1100 = tpu.vector_load %arg5[%get3A_1099] {strides = array<i32>} : memref<768xf32, #tpu.memory_space<vmem>>, vector<16xf32>,
      %get3A_1101 = vector.shape_cast %get3A_1100 : vector<16xf32> to vector<16xf32>
      %sub3A_1102 = arith.subf %broadcast_in_dim3A_806, %get3A_1101 : vector<16xf32>
      %get3A_1103 = arith.constant 656 : index
      %get3A_1104 = tpu.vector_load %arg5[%get3A_1103] {strides = array<i32>} : memref<768xf32, #tpu.memory_space<vmem>>, vector<16xf32>,
      %get3A_1105 = vector.shape_cast %get3A_1104 : vector<16xf32> to vector<16xf32>
      %sub3A_1106 = arith.subf %broadcast_in_dim3A_809, %get3A_1105 : vector<16xf32>
      %mul3A_1107 = arith.mulf %sub3A_1098, %sub3A_1098 : vector<16xf32>
      %mul3A_1108 = arith.mulf %sub3A_1102, %sub3A_1102 : vector<16xf32>
      %add3A_1109 = arith.addf %mul3A_1107, %mul3A_1108 : vector<16xf32>
      %mul3A_1110 = arith.mulf %sub3A_1106, %sub3A_1106 : vector<16xf32>
      %add3A_1111 = arith.addf %add3A_1109, %mul3A_1110 : vector<16xf32>
      %neg3A_1112 = arith.constant 0.000000e+00 : f32
      %neg3A_1113 = vector.broadcast %neg3A_1112 : f32 to vector<16xf32>
      %neg3A_1114 = arith.subf %neg3A_1113, %add3A_1111 : vector<16xf32>
      %exp3A_1115 = math.exp %neg3A_1114 : vector<16xf32>
      %add3A_1116 = arith.addf %add3A_1094, %exp3A_1115 : vector<16xf32>
      %get3A_1117 = arith.constant 672 : index
      %get3A_1118 = tpu.vector_load %arg5[%get3A_1117] {strides = array<i32>} : memref<768xf32, #tpu.memory_space<vmem>>, vector<16xf32>,
      %get3A_1119 = vector.shape_cast %get3A_1118 : vector<16xf32> to vector<16xf32>
      %sub3A_1120 = arith.subf %broadcast_in_dim3A_803, %get3A_1119 : vector<16xf32>
      %get3A_1121 = arith.constant 688 : index
      %get3A_1122 = tpu.vector_load %arg5[%get3A_1121] {strides = array<i32>} : memref<768xf32, #tpu.memory_space<vmem>>, vector<16xf32>,
      %get3A_1123 = vector.shape_cast %get3A_1122 : vector<16xf32> to vector<16xf32>
      %sub3A_1124 = arith.subf %broadcast_in_dim3A_806, %get3A_1123 : vector<16xf32>
      %get3A_1125 = arith.constant 704 : index
      %get3A_1126 = tpu.vector_load %arg5[%get3A_1125] {strides = array<i32>} : memref<768xf32, #tpu.memory_space<vmem>>, vector<16xf32>,
      %get3A_1127 = vector.shape_cast %get3A_1126 : vector<16xf32> to vector<16xf32>
      %sub3A_1128 = arith.subf %broadcast_in_dim3A_809, %get3A_1127 : vector<16xf32>
      %mul3A_1129 = arith.mulf %sub3A_1120, %sub3A_1120 : vector<16xf32>
      %mul3A_1130 = arith.mulf %sub3A_1124, %sub3A_1124 : vector<16xf32>
      %add3A_1131 = arith.addf %mul3A_1129, %mul3A_1130 : vector<16xf32>
      %mul3A_1132 = arith.mulf %sub3A_1128, %sub3A_1128 : vector<16xf32>
      %add3A_1133 = arith.addf %add3A_1131, %mul3A_1132 : vector<16xf32>
      %neg3A_1134 = arith.constant 0.000000e+00 : f32
      %neg3A_1135 = vector.broadcast %neg3A_1134 : f32 to vector<16xf32>
      %neg3A_1136 = arith.subf %neg3A_1135, %add3A_1133 : vector<16xf32>
      %exp3A_1137 = math.exp %neg3A_1136 : vector<16xf32>
      %add3A_1138 = arith.addf %add3A_1116, %exp3A_1137 : vector<16xf32>
      %get3A_1139 = arith.constant 720 : index
      %get3A_1140 = tpu.vector_load %arg5[%get3A_1139] {strides = array<i32>} : memref<768xf32, #tpu.memory_space<vmem>>, vector<16xf32>,
      %get3A_1141 = vector.shape_cast %get3A_1140 : vector<16xf32> to vector<16xf32>
      %sub3A_1142 = arith.subf %broadcast_in_dim3A_803, %get3A_1141 : vector<16xf32>
      %get3A_1143 = arith.constant 736 : index
      %get3A_1144 = tpu.vector_load %arg5[%get3A_1143] {strides = array<i32>} : memref<768xf32, #tpu.memory_space<vmem>>, vector<16xf32>,
      %get3A_1145 = vector.shape_cast %get3A_1144 : vector<16xf32> to vector<16xf32>
      %sub3A_1146 = arith.subf %broadcast_in_dim3A_806, %get3A_1145 : vector<16xf32>
      %get3A_1147 = arith.constant 752 : index
      %get3A_1148 = tpu.vector_load %arg5[%get3A_1147] {strides = array<i32>} : memref<768xf32, #tpu.memory_space<vmem>>, vector<16xf32>,
      %get3A_1149 = vector.shape_cast %get3A_1148 : vector<16xf32> to vector<16xf32>
      %sub3A_1150 = arith.subf %broadcast_in_dim3A_809, %get3A_1149 : vector<16xf32>
      %mul3A_1151 = arith.mulf %sub3A_1142, %sub3A_1142 : vector<16xf32>
      %mul3A_1152 = arith.mulf %sub3A_1146, %sub3A_1146 : vector<16xf32>
      %add3A_1153 = arith.addf %mul3A_1151, %mul3A_1152 : vector<16xf32>
      %mul3A_1154 = arith.mulf %sub3A_1150, %sub3A_1150 : vector<16xf32>
      %add3A_1155 = arith.addf %add3A_1153, %mul3A_1154 : vector<16xf32>
      %neg3A_1156 = arith.constant 0.000000e+00 : f32
      %neg3A_1157 = vector.broadcast %neg3A_1156 : f32 to vector<16xf32>
      %neg3A_1158 = arith.subf %neg3A_1157, %add3A_1155 : vector<16xf32>
      %exp3A_1159 = math.exp %neg3A_1158 : vector<16xf32>
      %add3A_1160 = arith.addf %add3A_1138, %exp3A_1159 : vector<16xf32>
      %mul3A_1161 = arith.constant 7.812500e-03 : f32
      %mul3A_1162 = vector.broadcast %mul3A_1161 : f32 to vector<16xf32>
      %mul3A_1163 = arith.mulf %add3A_1160, %mul3A_1162 : vector<16xf32>
      %swap3A_1164 = arith.constant 0 : index
      %swap3A_1165 = tpu.vector_load %arg6[%swap3A_1164] {strides = array<i32>} : memref<16xf32, #tpu.memory_space<vmem>>, vector<16xf32>,
      %swap3A_1166 = vector.shape_cast %swap3A_1165 : vector<16xf32> to vector<16xf32>
      %swap3A_1167 = vector.shape_cast %mul3A_1163 : vector<16xf32> to vector<16xf32>
      tpu.vector_store %arg6[%swap3A_1164], %swap3A_1167 {strides = array<i32>} : memref<16xf32, #tpu.memory_space<vmem>>, vector<16xf32>,
      %mul3A_1168 = arith.constant 16 : i32
      %mul3A_1169 = arith.muli %select_n3A_7, %mul3A_1168 : i32
      "tpu.region"() ({
        %run_scoped3A = tpu.sem_alloc : memref<!tpu.dma_semaphore, #tpu.memory_space<semaphore_mem>>
        %dma_start3A_1170 = tpu.memref_slice %arg3[%add3A_795, %mul3A_1169] : memref<10x64xf32, #tpu.memory_space<hbm>> -> memref<1x16xf32, #tpu.memory_space<hbm>>
        %dma_start3A_1171 = tpu.memref_squeeze %dma_start3A_1170 : memref<1x16xf32, #tpu.memory_space<hbm>> -> memref<16xf32, #tpu.memory_space<hbm>>
        %dma_start3A_1172 = tpu.memref_slice %arg3[%add3A_795, %mul3A_1169] : memref<10x64xf32, #tpu.memory_space<hbm>> -> memref<1x16xf32, #tpu.memory_space<hbm>>
        %dma_start3A_1173 = tpu.memref_squeeze %dma_start3A_1172 : memref<1x16xf32, #tpu.memory_space<hbm>> -> memref<16xf32, #tpu.memory_space<hbm>>
        tpu.enqueue_dma source(%arg6 : memref<16xf32, #tpu.memory_space<vmem>>) target(%dma_start3A_1173 : memref<16xf32, #tpu.memory_space<hbm>>) target_semaphore(%run_scoped3A : memref<!tpu.dma_semaphore, #tpu.memory_space<semaphore_mem>>)
        %dma_wait3A_1174 = tpu.memref_slice %arg3[%add3A_795, %mul3A_1169] : memref<10x64xf32, #tpu.memory_space<hbm>> -> memref<1x16xf32, #tpu.memory_space<hbm>>
        %dma_wait3A_1175 = tpu.memref_squeeze %dma_wait3A_1174 : memref<1x16xf32, #tpu.memory_space<hbm>> -> memref<16xf32, #tpu.memory_space<hbm>>
        %dma_wait3A_1176 = tpu.memref_slice %arg3[%add3A_795, %mul3A_1169] : memref<10x64xf32, #tpu.memory_space<hbm>> -> memref<1x16xf32, #tpu.memory_space<hbm>>
        %dma_wait3A_1177 = tpu.memref_squeeze %dma_wait3A_1176 : memref<1x16xf32, #tpu.memory_space<hbm>> -> memref<16xf32, #tpu.memory_space<hbm>>
        tpu.wait_dma2 semaphore(%run_scoped3A : memref<!tpu.dma_semaphore, #tpu.memory_space<semaphore_mem>>) src(%arg6 : memref<16xf32, #tpu.memory_space<vmem>>) dst(%dma_wait3A_1177 : memref<16xf32, #tpu.memory_space<hbm>>)
        tpu.yield
      }) : () -> ()
    } else {
    }
    return
  }
}

</mosaic_0001>

<sc_bundles>
// kernel: _run.3.cloned.1.call-start
scs
__scs_entry_jumppad:
0x0: {  	(pc) =	sbr.rel $0x88, $3  }
0x1: {  	(tag) =	ssettag $0x0;
	lr =	simm.s32 $0x1  }
0x2: {  	[smem:$0x3F9F] =	sst lr;
	_ =	strace $0xD0000000  }
0x3: {  	_ = 	snop  }
0x4: {  	_ = 	snop  }
0x5: {  	_ = 	snop  }
0x6: {  	_ = 	snop  }
0x7: {  	_ = 	snop  }
__scs_overlays_trampoline_lowered:
0x8: {  	[smem:$0x3FAE] =	sst s0  }
0x9: {  	[smem:$0x3FAF] =	sst s1  }
0xa: {  	[smem:$0x3FB0] =	sst s2  }
0xb: {  	[smem:$0x3FB1] =	sst s3  }
0xc: {  	[smem:$0x3FB2] =	sst s4  }
0xd: {  	[smem:$0x3FB3] =	sst s5  }
0xe: {  	[smem:$0x3FB4] =	sst s6  }
0xf: {  	[smem:$0x3FB5] =	sst s7  }
0x10: {  	[smem:$0x3FB6] =	sst s8  }
0x11: {  	[smem:$0x3FB7] =	sst s9;
	s0 =	simm.s32 @!p0 $0x0  }
0x12: {  	s1 =	sld [smem:$0x3F9D];
	s0 =	simm.s32 @p0 $0x1  }
0x13: {  	[smem:$0x3FB8] =	sst s0;
	s0 =	simm.s32 @!p1 $0x0  }
0x14: {  	s2 =	sld [smem:$0x3F9C];
	s0 =	simm.s32 @p1 $0x1  }
0x15: {  	[smem:$0x3FB9] =	sst s0;
	s0 =	simm.s32 @!p2 $0x0  }
0x16: {  	s3 =	sld [smem:$0x3FDB];
	s0 =	simm.s32 @p2 $0x1  }
0x17: {  	s4 =	simm.s32 $0x1BF5;
	[smem:$0x3FBB] =	sst s0  }
0x18: {  	s0 =	sld [smem:$0x3F9E];
	_ =	swait.ge [sflag:s4], $0x0  }
0x19: {  	s7 =	sld [smem:$0x3F9F]  }
0x1a: {  	s8 =	sadd.s32 $0xFFFFE003, lr  }
0x1b: {  	s9 =	sadd.s32 $0xFFFFFEF7, lr;
	s5 =	simm.s32 $0xFFFFFFFF;
	p2 =	slt.u32 s8, $0xFFFFF086  }
0x1c: {  	p1 =	slt.u32 s9, $0xF7A;
	s5 =	simm.s32 @!p2 $0x0  }
0x1d: {  	s5 =	simm.s32 @p1 $0x1;
	p0 =	seq.s32 s7, s2  }
0x1e: {  	s7 =	smul.u32 @!p0 $0xF7A, s2;
	p2 =	seq.s32 @!p0 s5, $0x0  }
0x1f: {  	s9 =	smul.u32 $0xF7A, s1;
	s8 =	simm.s32 @!p0 $0x1BF5;
	p2 =	por !p2, p0  }
0x20: {  	[sflag:s8] =	ssyncset.s32 @!p0 $0xFFFFF086;
	s6 =	sadd.s32 @!p0 s3, s7;
	s7 =	simm.s32 @!p0 $0x108  }
0x21: {  	s3 =	sadd.s32 s3, s9;
	s6 =	sadd.s32 @!p0 $0x88, s6;
	s7 =	simm.s32 @p2 $0x1082  }
0x22: {  	[simem:s7], [sflag:s8] =	dma.local @!p0 [hbm:s6], $0xF7A  }
0x23: {  	s9 =	sor.u32 $0xD0000000, s2;
	s6 =	simm.s32 $0x108;
	_ =	swait.ge @!p0 [sflag:s8], $0x0  }
0x24: {  	s3 =	sadd.s32 $0x88, s3;
	s6 =	simm.s32 @!p1 $0x1082;
	[sflag:s4] =	ssyncset.s32 $0xFFFFF086  }
0x25: {  	[simem:s6], [sflag:s4] =	dma.local [hbm:s3], $0xF7A  }
0x26: {  	[smem:$0x3F9F] =	sst s1;
	(tag) =	ssettag s2;
	_ =	strace s9  }
0x27: {  	s1 =	sld [smem:$0x3FAF]  }
0x28: {  	s2 =	sld [smem:$0x3FB0]  }
0x29: {  	s4 =	sld [smem:$0x3FB2]  }
0x2a: {  	p0 =	seq.s32 s5, $0x0;
	s5 =	sld [smem:$0x3FB3]  }
0x2b: {  	s6 =	sld [smem:$0x3FB4]  }
0x2c: {  	s7 =	sld [smem:$0x3FB5]  }
0x2d: {  	s3 =	simm.s32 $0x108;
	s8 =	sld [smem:$0x3FB6]  }
0x2e: {  	s3 =	simm.s32 @!p0 $0x1082;
	s9 =	sld [smem:$0x3FB7]  }
0x2f: {  	lr =	sadd.s32 s0, s3;
	s0 =	sld [smem:$0x3FAE]  }
0x30: {  	s3 =	sld [smem:$0x3FB1]  }
0x31: {  	[smem:$0x3FBA] =	sst s10  }
0x32: {  	s10 =	sld [smem:$0x3FB8];
	_ =	sdelay $0x3  }
0x33: {  	p0 =	seq.s32 s10, $0x1;
	s10 =	sld [smem:$0x3FBA];
	_ =	sdelay $0x3  }
0x34: {  	[smem:$0x3FBA] =	sst s10  }
0x35: {  	s10 =	sld [smem:$0x3FB9];
	_ =	sdelay $0x3  }
0x36: {  	p1 =	seq.s32 s10, $0x1;
	s10 =	sld [smem:$0x3FBA];
	_ =	sdelay $0x3  }
0x37: {  	[smem:$0x3FBA] =	sst s10  }
0x38: {  	s10 =	sld [smem:$0x3FBB]  }
0x39: {  	_ = 	snop;
	(pc) =	sbr.ind lr, $3  }
0x3a: {  	_ = 	snop  }
0x3b: {  	_ = 	snop  }
0x3c: {  	p2 =	seq.s32 s10, $0x1;
	s10 =	sld [smem:$0x3FBA]  }
0x3d: {  	_ =	shalt  }
0x3e: {  	_ =	shalt  }
0x3f: {  	_ =	shalt  }
0x40: {  	_ =	shalt  }
0x41: {  	_ =	shalt  }
0x42: {  	_ =	shalt  }
0x43: {  	_ =	shalt  }
0x44: {  	_ =	shalt  }
0x45: {  	_ =	shalt  }
0x46: {  	_ =	shalt  }
0x47: {  	_ =	shalt  }
0x48: {  	_ =	shalt  }
0x49: {  	_ =	shalt  }
0x4a: {  	_ =	shalt  }
0x4b: {  	_ =	shalt  }
0x4c: {  	_ =	shalt  }
0x4d: {  	_ =	shalt  }
0x4e: {  	_ =	shalt  }
0x4f: {  	_ =	shalt  }
0x50: {  	_ =	shalt  }
0x51: {  	_ =	shalt  }
0x52: {  	_ =	shalt  }
0x53: {  	_ =	shalt  }
0x54: {  	_ =	shalt  }
0x55: {  	_ =	shalt  }
0x56: {  	_ =	shalt  }
0x57: {  	_ =	shalt  }
0x58: {  	_ =	shalt  }
0x59: {  	_ =	shalt  }
0x5a: {  	_ =	shalt  }
0x5b: {  	_ =	shalt  }
0x5c: {  	_ =	shalt  }
0x5d: {  	_ =	shalt  }
0x5e: {  	_ =	shalt  }
0x5f: {  	_ =	shalt  }
0x60: {  	_ =	shalt  }
0x61: {  	_ =	shalt  }
0x62: {  	_ =	shalt  }
0x63: {  	_ =	shalt  }
0x64: {  	_ =	shalt  }
0x65: {  	_ =	shalt  }
0x66: {  	_ =	shalt  }
0x67: {  	_ =	shalt  }
0x68: {  	_ =	shalt  }
0x69: {  	_ =	shalt  }
0x6a: {  	_ =	shalt  }
0x6b: {  	_ =	shalt  }
0x6c: {  	_ =	shalt  }
0x6d: {  	_ =	shalt  }
0x6e: {  	_ =	shalt  }
0x6f: {  	_ =	shalt  }
0x70: {  	_ =	shalt  }
0x71: {  	_ =	shalt  }
0x72: {  	_ =	shalt  }
0x73: {  	_ =	shalt  }
0x74: {  	_ =	shalt  }
0x75: {  	_ =	shalt  }
0x76: {  	_ =	shalt  }
0x77: {  	_ =	shalt  }
0x78: {  	_ =	shalt  }
0x79: {  	_ =	shalt  }
0x7a: {  	_ =	shalt  }
0x7b: {  	_ =	shalt  }
0x7c: {  	_ =	shalt  }
0x7d: {  	_ =	shalt  }
0x7e: {  	_ =	shalt  }
0x7f: {  	_ =	shalt  }
0x80: {  	_ =	shalt  }
0x81: {  	_ =	shalt  }
0x82: {  	_ =	shalt  }
0x83: {  	_ =	shalt  }
0x84: {  	_ =	shalt  }
0x85: {  	_ =	shalt  }
0x86: {  	_ =	shalt  }
0x87: {  	_ =	shalt  }
.Lfunc_end0:
.L_simem_size_0:
called_computation_lowered:
.L_overlay_start_0:
0x88: {  	s0 =	sld [smem:$0x3FD9]  }
0x89: {  	s1 =	sld [smem:$0x3FFE];
	_ =	sdelay $0x3  }
0x8a: {  	s0 =	sadd.s32 s1, s0  }
0x8b: {  	[smem:$0x3FC6] =	sst s0  }
0x8c: {  	_ = 	snop  }
0x8d: {  	s0 =	sld [smem:$0x3FD0];
	(tm) =	ssettm $0x1  }
0x8e: {  	s16 =	sld [smem:$0x3FFB];
	_ =	sdelay $0x3  }
0x8f: {  	_ =	strace s16  }
0x90: {  	s1 =	sld [smem:$0x3FFC];
	_ =	sdelay $0x3  }
0x91: {  	_ =	strace s1  }
0x92: {  	s1 =	sld [smem:$0x3FFD];
	_ =	sdelay $0x3  }
0x93: {  	_ =	strace s1  }
0x94: {  	_ =	strace $0x8FFFFFFF  }
0x95: {  	s17 =	sld [smem:$0x3FDB];
	_ =	sdelay $0x1  }
0x96: {  	s2 =	simm.s32 $_scs_section_size  }
0x97: {  	s3 =	simm.s32 $_size__tile_overlayer_lowered;
	s4 =	simm.s32 $_tile_overlayer_lowered  }
0x98: {  	s20 =	simm.s32 $0x1BFF;
	s19 =	sshll.u32 s4, $0x1;
	s1 =	sadd.s32 s2, s17  }
0x99: {  	s5 =	simm.s32 $0x0;
	s18 =	sshll.u32 s3, $0x1;
	s3 =	sadd.s32 s19, s1  }
0x9a: {  	[timem:s5], [sflag:s20] =	dma.local [hbm:s3], s18  }
0x9b: {  	_ =	swait.ge [sflag:s20], s18  }
0x9c: {  	s2 =	ssub.s32 $0x0, s18;
	[sflag:s20] =	ssyncset.done $0x0  }
0x9d: {  	[sflag:s20] =	ssyncadd.s32 s2;
	_ =	sdelay $0x1  }
0x9e: {  	s21 =	simm.s32 $0x1B8B  }
0x9f: {  	_ =	swait.ge [sflag:s21], $0x1  }
0xa0: {  	[sflag:s21] =	ssyncset.done $0x0  }
0xa1: {  	s23 =	simm.s32 $0x1B8E;
	s22 =	sld [smem:$0x3FFE];
	[sflag:s21] =	ssyncadd.s32 $0xFFFFFFFF  }
0xa2: {  	s24 =	simm.s32 $execute0_lowered;
	[smem:$0x3FD2] =	sst s23  }
0xa3: {  	s3 =	sshll.u32 s24, $0x1;
	_ =	strace $0x80000046;
	[dreg:$0x1] =	wrdreg $0xFFFFFFFF  }
0xa4: {  	s25 =	simm.s32 $_size_execute0_lowered;
	s1 =	sadd.s32 s1, s3;
	[dreg:$0x0] =	wrdreg $0x0  }
0xa5: {  	s3 =	sshll.u32 s25, $0x1;
	[dreg:$0x2] =	wrdreg s1  }
0xa6: {  	[dreg:$0x3] =	wrdreg s3  }
0xa7: {  	[dreg:$0x4] =	wrdreg $0xC0  }
0xa8: {  	_ =	task [dreg:s5], $0x5FFFF  }
0xa9: {  	[dreg:$0x1] =	wrdreg $0xFFFFFFFF  }
0xaa: {  	[dreg:$0x0] =	wrdreg $0x60  }
0xab: {  	[dreg:$0x2] =	wrdreg s22  }
0xac: {  	[dreg:$0x3] =	wrdreg s0  }
0xad: {  	[dreg:$0x4] =	wrdreg $0x9  }
0xae: {  	_ =	task.clear_ibuf [dreg:s5], $0x5FFFF;
	_ =	strace $0x90000046  }
0xaf: {  	s26 =	simm.s32 $0x9;
	_ =	strace $0x80000048  }
0xb0: {  	_ =	swait.ge [sflag:s26], $0x1  }
0xb1: {  	[sflag:s26] =	ssyncadd.s32 $0xFFFFFFFF  }
0xb2: {  	_ =	strace $0x90000048  }
0xb3: {  	_ =	sfence  }
0xb4: {  	s28 =	sld [smem:$0x0];
	_ =	sdelay $0x1  }
0xb5: {  	s29 =	srdreg.scid  }
0xb6: {  	s30 =	sshll.u32 s29, $0xD;
	s31 =	sshrl.u32 s29, $0x2  }
0xb7: {  	s2 =	sand.u32 $0x4000, s30;
	s1 =	sand.u32 $0x1, s29;
	s0 =	sadd.s32 s31, s28  }
0xb8: {  	s1 =	sor.u32 s2, s1;
	s0 =	sshll.u32 s0, $0x11  }
0xb9: {  	s0 =	sor.u32 s0, s1  }
0xba: {  	s0 =	sadd.s32 $0x8F2B, s0  }
0xbb: {  	[sflag:s0] =	ssyncadd.remote.s32 $0x1  }
0xbc: {  	_ =	sfence.sel $0xFFFF  }
0xbd: {  	[dreg:$0x0] =	wrdreg $0xFFFFFFFF;
	(pc) =	sbr.abs _section_cstart, $3  }
0xbe: {  	[dreg:$0x1] =	wrdreg $0xFFFFFFFF  }
0xbf: {  	_ =	task.clear_ibuf [dreg:s5], $0x2FFFF;
	_ =	strace $0x9FFFFFFF  }
0xc0: {  	(tm) =	ssettm $0x7FFFFFFF  }
0xc1: {  	_ =	shalt  }
tec
execute0_lowered:
.L_overlay_start_1:
0x0: {  	(tag) =	ssettag $0x1  }
0x1: {  	s4 =	rddreg [dreg:$0x0];
	s0 =	stileid.u32  }
0x2: {  	s2 =	rddreg [dreg:$0x1];
	s5 =	sand.u32 $0x3, s0  }
0x3: {  	s1 =	rddreg [dreg:$0x2];
	s3 =	simm.s32 $0x0;
	s6 =	smul.u32 $0x60, s5  }
0x4: {  	[smem:$0x7FF] =	sst s3  }
0x5: {  	_ =	strace $0x80000047;
	s6 =	sadd.s32 s6, s4;
	s4 =	sadd.s32 $0x980, s4  }
0x6: {  	[tilespmem:s3], [sflag:$0x1] =	stream.linear.gather [hbm4b:s4+s3], $0x20, $0x38;
	[tilespmem:$0x400] =	vst v63  }
0x7: {  	s26 =	simm.s32 $0x80;
	s28 =	simm.s32 $0x1;
	s25 =	sadd.s32 $0x800, s6  }
0x8: {  	[tilespmem:s26], [sflag:$0x1] =	stream.linear.gather [hbm4b:s25+s3], $0x300, $0x38;
	[tilespmem:$0x400] =	vst v63  }
0x9: {  	_ =	swait.ge [sflag:s28], $0x20  }
0xa: {  	[sflag:s28] =	ssyncset.done $0x0  }
0xb: {  	s7 =	sshrl.u32 s0, $0x2;
	[sflag:s28] =	ssyncadd.s32 $0xFFFFFFE0  }
0xc: {  	s29 =	smul.u32 $0xC, s7;
	_ =	swait.ge [sflag:s28], $0x300  }
0xd: {  	[sflag:s28] =	ssyncset.done $0x0  }
0xe: {  	s4 =	sshrl.u32 s29, $0x2;
	[sflag:s28] =	ssyncadd.s32 $0xFFFFFD00  }
0xf: {  	v0 =	vld [tilespmem:s4+$0x0]  }
0x10: {  	v3 =	vld [tilespmem:$0x80]  }
0x11: {  	v4 =	vld [tilespmem:$0x90]  }
0x12: {  	v5 =	vld [tilespmem:$0xA0]  }
0x13: {  	v6 =	vld [tilespmem:$0xB0]  }
0x14: {  	v7 =	vld [tilespmem:$0xC0]  }
0x15: {  	v8 =	vld [tilespmem:$0xD0]  }
0x16: {  	v9 =	vld [tilespmem:$0xE0]  }
0x17: {  	v10 =	vld [tilespmem:$0xF0]  }
0x18: {  	v11 =	vld [tilespmem:$0x110]  }
0x19: {  	v12 =	vld [tilespmem:$0x120]  }
0x1a: {  	v61 =	vld [tilespmem:$0x140];
	v1 =	vbroadcast v0, $0x0  }
0x1b: {  	v13 =	vld [tilespmem:$0x160];
	v2 =	vbroadcast v0, $0x1;
	v0 =	vbroadcast v0, $0x2  }
0x1c: {  	v17 =	vld [tilespmem:$0x170];
	v3 =	vsub.f32 v1, v3  }
0x1d: {  	v14 =	vld [tilespmem:$0x180];
	v4 =	vsub.f32 v2, v4;
	v5 =	vsub.f32 v0, v5  }
0x1e: {  	v20 =	vld [tilespmem:$0x190];
	v6 =	vsub.f32 v1, v6;
	v7 =	vsub.f32 v2, v7  }
0x1f: {  	v22 =	vld [tilespmem:$0x1A0];
	v8 =	vsub.f32 v0, v8;
	v59 =	vsub.f32 v1, v9  }
0x20: {  	v25 =	vld [tilespmem:$0x1B0];
	v60 =	vsub.f32 v2, v10;
	v11 =	vsub.f32 v1, v11  }
0x21: {  	v29 =	vld [tilespmem:$0x1C0];
	v12 =	vsub.f32 v2, v12;
	v10 =	vsub.f32 v1, v61  }
0x22: {  	v51 =	vld [tilespmem:$0x250];
	v19 =	vsub.f32 v0, v13;
	v23 =	vsub.f32 v1, v17  }
0x23: {  	v55 =	vld [tilespmem:$0x100];
	v24 =	vsub.f32 v2, v14;
	v27 =	vsub.f32 v0, v20;
	v3 =	vmul.f32 v3, v3  }
0x24: {  	v48 =	vld [tilespmem:$0x230];
	v30 =	vsub.f32 v1, v22;
	v4 =	vmul.f32 v4, v4;
	v54 =	vmul.f32 v5, v5  }
0x25: {  	v58 =	vld [tilespmem:$0x130];
	v31 =	vsub.f32 v2, v25;
	v6 =	vmul.f32 v6, v6;
	v7 =	vmul.f32 v7, v7  }
0x26: {  	v62 =	vld [tilespmem:$0x150];
	v33 =	vsub.f32 v0, v29;
	v57 =	vmul.f32 v8, v8;
	v8 =	vmul.f32 v59, v59  }
0x27: {  	v49 =	vld [tilespmem:$0x240];
	v13 =	vsub.f32 v0, v51;
	v9 =	vmul.f32 v60, v60;
	v63 =	vmul.f32 v11, v11  }
0x28: {  	v20 =	vld [tilespmem:$0x2F0];
	v5 =	vsub.f32 v0, v55;
	v16 =	vmul.f32 v12, v12;
	v10 =	vmul.f32 v10, v10  }
0x29: {  	v42 =	vld [tilespmem:$0x1F0];
	v21 =	vmul.f32 v19, v19;
	v11 =	vsub.f32 v1, v48;
	v3 =	vadd.f32 v4, v3  }
0x2a: {  	v28 =	vmul.f32 v24, v24;
	v55 =	vld [tilespmem:$0x270];
	v56 =	vadd.f32 v7, v6;
	v8 =	vadd.f32 v9, v8  }
0x2b: {  	v34 =	vmul.f32 v31, v31;
	v7 =	vsub.f32 v0, v58;
	v6 =	vsub.f32 v2, v62  }
0x2c: {  	v45 =	vld [tilespmem:$0x210];
	v5 =	vmul.f32 v5, v5;
	v18 =	vadd.f32 v16, v63;
	v9 =	vsub.f32 v2, v49  }
0x2d: {  	v17 =	vld [tilespmem:$0x2D0];
	v36 =	vmul.f32 v33, v33;
	v31 =	vsub.f32 v1, v20;
	v3 =	vadd.f32 v54, v3  }
0x2e: {  	v59 =	vld [tilespmem:$0x290];
	v11 =	vmul.f32 v11, v11;
	v4 =	vadd.f32 v57, v56;
	v5 =	vadd.f32 v5, v8  }
0x2f: {  	v60 =	vld [tilespmem:$0x2A0];
	v7 =	vmul.f32 v7, v7;
	v8 =	vsub.f32 v0, v42;
	v12 =	vsub.f32 v2, v55  }
0x30: {  	v63 =	vld [tilespmem:$0x2B0];
	v6 =	vmul.f32 v6, v6;
	v3 =	vsub.f32 $0.0e+00, v3;
	v4 =	vsub.f32 $0.0e+00, v4  }
0x31: {  	v9 =	vmul.f32 v9, v9;
	v5 =	vsub.f32 $0.0e+00, v5;
	v7 =	vadd.f32 v7, v18  }
0x32: {  	v62 =	vmul.f32 v13, v13;
	v16 =	vld [tilespmem:$0x2C0];
	v6 =	vadd.f32 v6, v10;
	v10 =	vsub.f32 v2, v45  }
0x33: {  	v52 =	vmul.f32 v8, v8;
	v61 =	vadd.f32 v9, v11;
	v18 =	vsub.f32 v1, v59  }
0x34: {  	v8 =	vsub.f32 v2, v60;
	v9 =	vsub.f32 v2, v17;
	v12 =	vmul.f32 v12, v12  }
0x35: {  	v54 =	vld [tilespmem:$0x260];
	v11 =	vsub.f32 v0, v63;
	v3 =	vmul.f32 $1.442695020e+00, v3;
	v4 =	vmul.f32 $1.442695020e+00, v4  }
0x36: {  	v26 =	vsub.f32 $0.0e+00, v7;
	v5 =	vmul.f32 $1.442695020e+00, v5;
	v7 =	vmul.f32 v27, v27  }
0x37: {  	v19 =	vld [tilespmem:$0x2E0];
	v13 =	vsub.f32 v1, v16;
	(erf) = vpow2.f32 v3;
	v3 =	vmul.f32 v23, v23  }
0x38: {  	v6 =	vadd.f32 v21, v6;
	v53 =	vmul.f32 v10, v10;
	(erf) = vpow2.f32 v4  }
0x39: {  	v40 =	vld [tilespmem:$0x1E0];
	v8 =	vmul.f32 v8, v8;
	v9 =	vmul.f32 v9, v9;
	v3 =	vadd.f32 v28, v3  }
0x3a: {  	v43 =	vld [tilespmem:$0x200];
	v10 =	vsub.f32 v1, v54;
	v21 =	vmul.f32 v11, v11;
	v13 =	vmul.f32 v13, v13  }
0x3b: {  	v39 =	vld [tilespmem:$0x1D0];
	v6 =	vsub.f32 $0.0e+00, v6;
	v4 =	vmul.f32 $1.442695020e+00, v26;
	v3 =	vadd.f32 v7, v3  }
0x3c: {  	v15 =	vld [tilespmem:$0x300];
	v23 =	vsub.f32 v0, v19;
	(erf) = vpow2.f32 v5;
	v5 =	vmul.f32 v30, v30  }
0x3d: {  	v24 =	vld [tilespmem:$0x320];
	v10 =	vmul.f32 v10, v10;
	(erf) = vpow2.f32 v4;
	v3 =	vsub.f32 $0.0e+00, v3  }
0x3e: {  	v57 =	vld [tilespmem:$0x280];
	v32 =	vmul.f32 $1.442695020e+00, v6;
	v6 =	vsub.f32 v2, v40;
	v35 =	vadd.f32 v34, v5  }
0x3f: {  	v28 =	vadd.f32 v9, v13;
	v30 =	vld [tilespmem:$0x340];
	v7 =	vsub.f32 v1, v43;
	v3 =	vmul.f32 $1.442695020e+00, v3  }
0x40: {  	v33 =	vld [tilespmem:$0x350];
	v10 =	vadd.f32 v12, v10;
	(erf) = vpow2.f32 v32;
	v4 =	vadd.f32 v36, v35;
	v37 =	vpop (erf)  }
0x41: {  	v46 =	vld [tilespmem:$0x220];
	v7 =	vmul.f32 v7, v7;
	v38 =	vpop (erf);
	(erf) = vpow2.f32 v3;
	v3 =	vsub.f32 v1, v39  }
0x42: {  	v22 =	vld [tilespmem:$0x310];
	v6 =	vmul.f32 v6, v6;
	v32 =	vsub.f32 v2, v15;
	v4 =	vsub.f32 $0.0e+00, v4  }
0x43: {  	v36 =	vld [tilespmem:$0x370];
	v56 =	vadd.f32 v53, v7;
	v7 =	vsub.f32 v0, v57;
	v3 =	vmul.f32 v3, v3  }
0x44: {  	v35 =	vsub.f32 v1, v24;
	v11 =	vsub.f32 v0, v30;
	v4 =	vmul.f32 $1.442695020e+00, v4  }
0x45: {  	v7 =	vmul.f32 v7, v7;
	v1 =	vsub.f32 v1, v33;
	v41 =	vpop (erf);
	v3 =	vadd.f32 v6, v3  }
0x46: {  	v27 =	vld [tilespmem:$0x330];
	v5 =	vadd.f32 v38, v37;
	v44 =	vpop (erf);
	(erf) = vpow2.f32 v4;
	v4 =	vsub.f32 v0, v46  }
0x47: {  	v29 =	vmul.f32 v23, v23;
	v34 =	vld [tilespmem:$0x360];
	v7 =	vadd.f32 v7, v10;
	v3 =	vadd.f32 v52, v3  }
0x48: {  	v10 =	vsub.f32 v0, v22;
	v0 =	vsub.f32 v0, v36;
	v4 =	vmul.f32 v4, v4  }
0x49: {  	v12 =	vmul.f32 v32, v32;
	v5 =	vadd.f32 v41, v5;
	v3 =	vsub.f32 $0.0e+00, v3  }
0x4a: {  	v1 =	vmul.f32 v1, v1;
	v6 =	vadd.f32 v62, v61;
	v4 =	vadd.f32 v4, v56  }
0x4b: {  	v26 =	vsub.f32 $0.0e+00, v7;
	v7 =	vsub.f32 v2, v27;
	v3 =	vmul.f32 $1.442695020e+00, v3  }
0x4c: {  	v10 =	vmul.f32 v10, v10;
	v2 =	vsub.f32 v2, v34;
	v4 =	vsub.f32 $0.0e+00, v4  }
0x4d: {  	v6 =	vsub.f32 $0.0e+00, v6;
	(erf) = vpow2.f32 v3;
	v3 =	vmul.f32 v18, v18  }
0x4e: {  	v5 =	vadd.f32 v44, v5;
	v7 =	vmul.f32 v7, v7;
	v4 =	vmul.f32 $1.442695020e+00, v4  }
0x4f: {  	v47 =	vpop (erf);
	v2 =	vmul.f32 v2, v2;
	v25 =	vmul.f32 $1.442695020e+00, v6;
	v3 =	vadd.f32 v8, v3  }
0x50: {  	v5 =	vadd.f32 v47, v5;
	v50 =	vpop (erf);
	(erf) = vpow2.f32 v4;
	v4 =	vmul.f32 v31, v31  }
0x51: {  	v6 =	vmul.f32 $1.442695020e+00, v26;
	v1 =	vadd.f32 v2, v1;
	v3 =	vadd.f32 v21, v3  }
0x52: {  	(erf) = vpow2.f32 v25;
	v8 =	vadd.f32 v29, v28;
	v4 =	vadd.f32 v12, v4  }
0x53: {  	v58 =	vpop (erf);
	(erf) = vpow2.f32 v6;
	v6 =	vmul.f32 v35, v35;
	v3 =	vsub.f32 $0.0e+00, v3  }
0x54: {  	v37 =	vmul.f32 v11, v11;
	v5 =	vadd.f32 v50, v5;
	v4 =	vadd.f32 v10, v4  }
0x55: {  	v8 =	vsub.f32 $0.0e+00, v8;
	v6 =	vadd.f32 v7, v6;
	v3 =	vmul.f32 $1.442695020e+00, v3  }
0x56: {  	v0 =	vmul.f32 v0, v0;
	v5 =	vadd.f32 v58, v5;
	v4 =	vsub.f32 $0.0e+00, v4  }
0x57: {  	v38 =	vmul.f32 $1.442695020e+00, v8;
	v6 =	vadd.f32 v37, v6;
	(erf) = vpow2.f32 v3  }
0x58: {  	v0 =	vadd.f32 v0, v1;
	v39 =	vpop (erf);
	v4 =	vmul.f32 $1.442695020e+00, v4  }
0x59: {  	v42 =	vsub.f32 $0.0e+00, v6;
	v40 =	vadd.f32 v39, v5;
	(erf) = vpow2.f32 v38  }
0x5a: {  	v0 =	vsub.f32 $0.0e+00, v0;
	v41 =	vpop (erf)  }
0x5b: {  	v44 =	vmul.f32 $1.442695020e+00, v42;
	v43 =	vadd.f32 v41, v40;
	(erf) = vpow2.f32 v4  }
0x5c: {  	v45 =	vpop (erf)  }
0x5d: {  	v0 =	vmul.f32 $1.442695020e+00, v0;
	(erf) = vpow2.f32 v44;
	v1 =	vadd.f32 v45, v43  }
0x5e: {  	v46 =	vpop (erf)  }
0x5f: {  	(erf) = vpow2.f32 v0;
	v1 =	vadd.f32 v46, v1  }
0x60: {  	v47 =	vpop (erf)  }
0x61: {  	v0 =	vadd.f32 v47, v1  }
0x62: {  	v48 =	vpop (erf)  }
0x63: {  	v0 =	vadd.f32 v48, v0  }
0x64: {  	v49 =	vpop (erf)  }
0x65: {  	v0 =	vadd.f32 v49, v0  }
0x66: {  	v50 =	vpop (erf)  }
0x67: {  	v0 =	vadd.f32 v50, v0  }
0x68: {  	v51 =	vpop (erf)  }
0x69: {  	v0 =	vadd.f32 v51, v0  }
0x6a: {  	s8 =	sshll.u32 s5, $0x4;
	s30 =	sshll.u32 s7, $0x7  }
0x6b: {  	s5 =	sor.u32 s8, s30;
	v0 =	vmul.f32 $7.812500000e-03, v0  }
0x6c: {  	s31 =	sor.u32 $0x4, s7;
	s5 =	sshrl.u32 s5, $0x3  }
0x6d: {  	s7 =	simm.s32 $0x2;
	s9 =	sadd.s32 s2, s5;
	s6 =	simm.s32 $0x380;
	[tilespmem:$0x380] =	vst v0  }
0x6e: {  	[hbm4b:s9+s3] =	stream.linear.scatter [tilespmem:s6], [sflag:$0x2], $0x10, $0x38;
	[tilespmem:$0x400] =	vst v63  }
0x6f: {  	s10 =	smul.u32 $0xC, s31;
	_ =	swait.ge [sflag:s7], $0x10  }
0x70: {  	[sflag:s7] =	ssyncset.done $0x0  }
0x71: {  	s10 =	sshrl.u32 s10, $0x2;
	[sflag:s7] =	ssyncadd.s32 $0xFFFFFFF0  }
0x72: {  	v52 =	vld [tilespmem:s10+$0x0]  }
0x73: {  	v53 =	vld [tilespmem:$0x80]  }
0x74: {  	v54 =	vld [tilespmem:$0x90]  }
0x75: {  	v55 =	vld [tilespmem:$0xA0]  }
0x76: {  	v56 =	vld [tilespmem:$0xB0]  }
0x77: {  	v57 =	vld [tilespmem:$0xC0]  }
0x78: {  	v58 =	vld [tilespmem:$0xD0]  }
0x79: {  	v59 =	vld [tilespmem:$0xE0]  }
0x7a: {  	v60 =	vld [tilespmem:$0xF0]  }
0x7b: {  	v62 =	vld [tilespmem:$0x100]  }
0x7c: {  	v63 =	vld [tilespmem:$0x110]  }
0x7d: {  	v16 =	vld [tilespmem:$0x120]  }
0x7e: {  	v17 =	vld [tilespmem:$0x130];
	v1 =	vbroadcast v52, $0x0;
	v2 =	vbroadcast v52, $0x1  }
0x7f: {  	v21 =	vld [tilespmem:$0x140];
	v0 =	vbroadcast v52, $0x2  }
0x80: {  	v22 =	vld [tilespmem:$0x150];
	v3 =	vsub.f32 v1, v53;
	v4 =	vsub.f32 v2, v54  }
0x81: {  	v26 =	vld [tilespmem:$0x170];
	v5 =	vsub.f32 v0, v55;
	v6 =	vsub.f32 v1, v56  }
0x82: {  	v27 =	vld [tilespmem:$0x180];
	v7 =	vsub.f32 v2, v57;
	v8 =	vsub.f32 v0, v58  }
0x83: {  	v36 =	vld [tilespmem:$0x1C0];
	v9 =	vsub.f32 v1, v59;
	v10 =	vsub.f32 v2, v60  }
0x84: {  	v24 =	vld [tilespmem:$0x160];
	v11 =	vsub.f32 v1, v63;
	v25 =	vsub.f32 v0, v17  }
0x85: {  	v29 =	vld [tilespmem:$0x190];
	v30 =	vsub.f32 v1, v21;
	v31 =	vsub.f32 v2, v22;
	v3 =	vmul.f32 v3, v3  }
0x86: {  	v33 =	vld [tilespmem:$0x1B0];
	v34 =	vsub.f32 v1, v26;
	v4 =	vmul.f32 v4, v4;
	v61 =	vmul.f32 v5, v5  }
0x87: {  	v35 =	vsub.f32 v2, v27;
	v57 =	vld [tilespmem:$0x210];
	v6 =	vmul.f32 v6, v6;
	v7 =	vmul.f32 v7, v7  }
0x88: {  	v39 =	vsub.f32 v0, v36;
	v21 =	vld [tilespmem:$0x280];
	v18 =	vmul.f32 v8, v8;
	v19 =	vmul.f32 v9, v9  }
0x89: {  	v22 =	vld [tilespmem:$0x290];
	v5 =	vsub.f32 v0, v62;
	v20 =	vmul.f32 v10, v10;
	v11 =	vmul.f32 v11, v11  }
0x8a: {  	v27 =	vld [tilespmem:$0x2D0];
	v28 =	vmul.f32 v25, v25;
	v8 =	vsub.f32 v0, v24;
	v10 =	vmul.f32 v31, v31  }
0x8b: {  	v9 =	vsub.f32 v0, v29;
	v37 =	vmul.f32 v35, v35;
	v3 =	vadd.f32 v4, v3  }
0x8c: {  	v55 =	vld [tilespmem:$0x200];
	v43 =	vmul.f32 v39, v39;
	v6 =	vadd.f32 v7, v6;
	v4 =	vsub.f32 v2, v16  }
0x8d: {  	v23 =	vadd.f32 v20, v19;
	v5 =	vmul.f32 v5, v5;
	v7 =	vsub.f32 v2, v33  }
0x8e: {  	v32 =	vld [tilespmem:$0x1A0];
	v8 =	vmul.f32 v8, v8;
	v19 =	vsub.f32 v2, v57;
	v26 =	vsub.f32 v0, v21  }
0x8f: {  	v38 =	vmul.f32 v9, v9;
	v16 =	vld [tilespmem:$0x270];
	v29 =	vsub.f32 v1, v22;
	v13 =	vsub.f32 v2, v27  }
0x90: {  	v20 =	vld [tilespmem:$0x250];
	v3 =	vadd.f32 v61, v3;
	v6 =	vadd.f32 v18, v6;
	v4 =	vmul.f32 v4, v4  }
0x91: {  	v5 =	vadd.f32 v5, v23;
	v7 =	vmul.f32 v7, v7;
	v18 =	vsub.f32 v1, v55  }
0x92: {  	v60 =	vld [tilespmem:$0x230];
	v33 =	vmul.f32 v29, v29;
	v3 =	vsub.f32 $0.0e+00, v3;
	v6 =	vsub.f32 $0.0e+00, v6  }
0x93: {  	v13 =	vmul.f32 v13, v13;
	v4 =	vadd.f32 v4, v11;
	v5 =	vsub.f32 $0.0e+00, v5  }
0x94: {  	v25 =	vld [tilespmem:$0x2B0];
	v11 =	vsub.f32 v1, v32;
	v12 =	vsub.f32 v2, v16;
	v3 =	vmul.f32 $1.442695020e+00, v3  }
0x95: {  	v23 =	vld [tilespmem:$0x2A0];
	v9 =	vsub.f32 v0, v20;
	v6 =	vmul.f32 $1.442695020e+00, v6;
	v5 =	vmul.f32 $1.442695020e+00, v5  }
0x96: {  	v4 =	vadd.f32 v28, v4;
	v40 =	vmul.f32 v11, v11;
	v12 =	vmul.f32 v12, v12  }
0x97: {  	v35 =	vld [tilespmem:$0x310];
	v11 =	vsub.f32 v1, v60;
	(erf) = vpow2.f32 v3;
	v3 =	vmul.f32 v30, v30  }
0x98: {  	v48 =	vld [tilespmem:$0x1D0];
	v9 =	vmul.f32 v9, v9;
	v4 =	vsub.f32 $0.0e+00, v4;
	v42 =	vadd.f32 v7, v40  }
0x99: {  	v51 =	vld [tilespmem:$0x1E0];
	(erf) = vpow2.f32 v6;
	v6 =	vmul.f32 v34, v34;
	v3 =	vadd.f32 v10, v3  }
0x9a: {  	v53 =	vld [tilespmem:$0x1F0];
	v24 =	vmul.f32 v11, v11;
	v30 =	vsub.f32 v2, v23;
	v11 =	vsub.f32 v0, v25  }
0x9b: {  	v31 =	vld [tilespmem:$0x2F0];
	v7 =	vmul.f32 v19, v19;
	v6 =	vadd.f32 v37, v6;
	v3 =	vadd.f32 v8, v3  }
0x9c: {  	v61 =	vld [tilespmem:$0x240];
	v40 =	vsub.f32 v0, v35;
	v4 =	vmul.f32 $1.442695020e+00, v4;
	v45 =	vadd.f32 v43, v42  }
0x9d: {  	v16 =	vld [tilespmem:$0x2C0];
	(erf) = vpow2.f32 v5;
	v41 =	vadd.f32 v38, v6;
	v3 =	vsub.f32 $0.0e+00, v3  }
0x9e: {  	v63 =	vld [tilespmem:$0x260];
	v5 =	vsub.f32 v1, v48;
	(erf) = vpow2.f32 v4;
	v4 =	vsub.f32 v2, v51  }
0x9f: {  	v58 =	vld [tilespmem:$0x220];
	v34 =	vmul.f32 v30, v30;
	v44 =	vsub.f32 $0.0e+00, v41;
	v3 =	vmul.f32 $1.442695020e+00, v3  }
0xa0: {  	v47 =	vsub.f32 $0.0e+00, v45;
	v5 =	vmul.f32 v5, v5;
	v4 =	vmul.f32 v4, v4  }
0xa1: {  	v28 =	vld [tilespmem:$0x2E0];
	v10 =	vsub.f32 v2, v61;
	v46 =	vmul.f32 $1.442695020e+00, v44;
	(erf) = vpow2.f32 v3  }
0xa2: {  	v16 =	vsub.f32 v1, v16;
	v37 =	vsub.f32 v1, v31;
	v50 =	vmul.f32 $1.442695020e+00, v47  }
0xa3: {  	v36 =	vld [tilespmem:$0x330];
	v4 =	vadd.f32 v4, v5;
	v5 =	vsub.f32 v1, v63;
	v49 =	vpop (erf);
	(erf) = vpow2.f32 v46  }
0xa4: {  	v8 =	vsub.f32 v0, v58;
	v16 =	vmul.f32 v16, v16;
	v41 =	vld [tilespmem:$0x340];
	v52 =	vpop (erf);
	v3 =	vsub.f32 v0, v53  }
0xa5: {  	v5 =	vmul.f32 v5, v5;
	v6 =	vadd.f32 v52, v49;
	(erf) = vpow2.f32 v50  }
0xa6: {  	v38 =	vsub.f32 v0, v28;
	v39 =	vadd.f32 v13, v16;
	v54 =	vpop (erf);
	v3 =	vmul.f32 v3, v3  }
0xa7: {  	v11 =	vmul.f32 v11, v11;
	v46 =	vld [tilespmem:$0x370];
	v5 =	vadd.f32 v12, v5;
	v6 =	vadd.f32 v54, v6  }
0xa8: {  	v32 =	vld [tilespmem:$0x300];
	v12 =	vsub.f32 v2, v36;
	v56 =	vpop (erf);
	v3 =	vadd.f32 v3, v4;
	v4 =	vmul.f32 v18, v18  }
0xa9: {  	v10 =	vmul.f32 v10, v10;
	v45 =	vld [tilespmem:$0x360];
	v49 =	vsub.f32 v0, v41;
	v6 =	vadd.f32 v56, v6  }
0xaa: {  	v8 =	vmul.f32 v8, v8;
	v3 =	vsub.f32 $0.0e+00, v3;
	v4 =	vadd.f32 v7, v4;
	v59 =	vpop (erf)  }
0xab: {  	v44 =	vmul.f32 v40, v40;
	v7 =	vadd.f32 v10, v24;
	v6 =	vadd.f32 v59, v6  }
0xac: {  	v12 =	vmul.f32 v12, v12;
	v0 =	vsub.f32 v0, v46;
	v4 =	vadd.f32 v8, v4;
	v62 =	vpop (erf)  }
0xad: {  	v7 =	vadd.f32 v9, v7;
	v3 =	vmul.f32 $1.442695020e+00, v3;
	v6 =	vadd.f32 v62, v6  }
0xae: {  	v8 =	vmul.f32 v26, v26;
	v9 =	vsub.f32 v2, v32;
	v2 =	vsub.f32 v2, v45;
	v17 =	vpop (erf)  }
0xaf: {  	v4 =	vsub.f32 $0.0e+00, v4;
	(erf) = vpow2.f32 v3;
	v6 =	vadd.f32 v17, v6;
	v17 =	vld [tilespmem:$0x320]  }
0xb0: {  	v5 =	vadd.f32 v8, v5;
	v3 =	vmul.f32 v37, v37;
	v9 =	vmul.f32 v9, v9  }
0xb1: {  	v43 =	vld [tilespmem:$0x350];
	v51 =	vmul.f32 v49, v49;
	v7 =	vsub.f32 $0.0e+00, v7;
	v8 =	vadd.f32 v34, v33  }
0xb2: {  	v2 =	vmul.f32 v2, v2;
	v4 =	vmul.f32 $1.442695020e+00, v4;
	v3 =	vadd.f32 v9, v3  }
0xb3: {  	v5 =	vsub.f32 $0.0e+00, v5;
	v8 =	vadd.f32 v11, v8;
	v7 =	vmul.f32 $1.442695020e+00, v7  }
0xb4: {  	(erf) = vpow2.f32 v4;
	v4 =	vmul.f32 v38, v38;
	v42 =	vsub.f32 v1, v17  }
0xb5: {  	v5 =	vmul.f32 $1.442695020e+00, v5;
	v48 =	vsub.f32 $0.0e+00, v8;
	(erf) = vpow2.f32 v7  }
0xb6: {  	v4 =	vadd.f32 v4, v39;
	v1 =	vsub.f32 v1, v43;
	v15 =	vmul.f32 v42, v42  }
0xb7: {  	v3 =	vadd.f32 v44, v3;
	(erf) = vpow2.f32 v5;
	v50 =	vmul.f32 $1.442695020e+00, v48  }
0xb8: {  	v4 =	vsub.f32 $0.0e+00, v4;
	v1 =	vmul.f32 v1, v1;
	v47 =	vadd.f32 v12, v15  }
0xb9: {  	v0 =	vmul.f32 v0, v0;
	v3 =	vsub.f32 $0.0e+00, v3;
	(erf) = vpow2.f32 v50  }
0xba: {  	v53 =	vpop (erf);
	v4 =	vmul.f32 $1.442695020e+00, v4;
	v1 =	vadd.f32 v2, v1;
	v52 =	vadd.f32 v51, v47  }
0xbb: {  	v3 =	vmul.f32 $1.442695020e+00, v3;
	v2 =	vadd.f32 v53, v6  }
0xbc: {  	(erf) = vpow2.f32 v4;
	v0 =	vadd.f32 v0, v1;
	v5 =	vsub.f32 $0.0e+00, v52  }
0xbd: {  	v54 =	vpop (erf);
	(erf) = vpow2.f32 v3  }
0xbe: {  	v55 =	vadd.f32 v54, v2;
	v0 =	vsub.f32 $0.0e+00, v0;
	v56 =	vmul.f32 $1.442695020e+00, v5  }
0xbf: {  	v57 =	vpop (erf)  }
0xc0: {  	v1 =	vadd.f32 v57, v55;
	v0 =	vmul.f32 $1.442695020e+00, v0;
	(erf) = vpow2.f32 v56  }
0xc1: {  	v58 =	vpop (erf)  }
0xc2: {  	v1 =	vadd.f32 v58, v1;
	(erf) = vpow2.f32 v0  }
0xc3: {  	v59 =	vpop (erf)  }
0xc4: {  	v0 =	vadd.f32 v59, v1  }
0xc5: {  	v60 =	vpop (erf)  }
0xc6: {  	v0 =	vadd.f32 v60, v0  }
0xc7: {  	v61 =	vpop (erf)  }
0xc8: {  	v0 =	vadd.f32 v61, v0  }
0xc9: {  	v62 =	vpop (erf)  }
0xca: {  	v0 =	vadd.f32 v62, v0  }
0xcb: {  	v63 =	vpop (erf)  }
0xcc: {  	v0 =	vadd.f32 v63, v0  }
0xcd: {  	s9 =	sshll.u32 s31, $0x7  }
0xce: {  	s8 =	sor.u32 s8, s9;
	v0 =	vmul.f32 $7.812500000e-03, v0  }
0xcf: {  	p0 =	sgt.u32 s0, $0x7;
	s8 =	sshrl.u32 s8, $0x3  }
.Ltmp0:
0xd0: {  	s8 =	sadd.s32 s2, s8;
	[tilespmem:$0x380] =	vst v0;
	(pc) =	sbr.rel @p0 .LBB2_2-.Ltmp0, $4  }
0xd1: {  	[hbm4b:s8+s3] =	stream.linear.scatter [tilespmem:s6], [sflag:$0x2], $0x10, $0x38;
	[tilespmem:$0x400] =	vst v63  }
0xd2: {  	_ =	swait.ge [sflag:s7], $0x10  }
0xd3: {  	[sflag:s7] =	ssyncset.done $0x0  }
0xd4: {  	[sflag:s7] =	ssyncadd.s32 $0xFFFFFFF0  }
0xd5: {  	v0 =	vld [tilespmem:s4+$0x18]  }
0xd6: {  	v3 =	vld [tilespmem:$0x80]  }
0xd7: {  	v4 =	vld [tilespmem:$0x90]  }
0xd8: {  	v5 =	vld [tilespmem:$0xA0]  }
0xd9: {  	v6 =	vld [tilespmem:$0xB0]  }
0xda: {  	v7 =	vld [tilespmem:$0xC0]  }
0xdb: {  	v8 =	vld [tilespmem:$0xD0]  }
0xdc: {  	v9 =	vld [tilespmem:$0xE0]  }
0xdd: {  	v10 =	vld [tilespmem:$0xF0]  }
0xde: {  	v19 =	vld [tilespmem:$0x100]  }
0xdf: {  	v11 =	vld [tilespmem:$0x110]  }
0xe0: {  	v12 =	vld [tilespmem:$0x130];
	v1 =	vbroadcast v0, $0x0  }
0xe1: {  	v24 =	vld [tilespmem:$0x140];
	v2 =	vbroadcast v0, $0x1;
	v0 =	vbroadcast v0, $0x2  }
0xe2: {  	v13 =	vld [tilespmem:$0x150];
	v3 =	vsub.f32 v1, v3  }
0xe3: {  	v28 =	vld [tilespmem:$0x170];
	v4 =	vsub.f32 v2, v4;
	v5 =	vsub.f32 v0, v5  }
0xe4: {  	v14 =	vld [tilespmem:$0x180];
	v6 =	vsub.f32 v1, v6;
	v7 =	vsub.f32 v2, v7  }
0xe5: {  	v37 =	vld [tilespmem:$0x1C0];
	v8 =	vsub.f32 v0, v8;
	v9 =	vsub.f32 v1, v9  }
0xe6: {  	v17 =	vld [tilespmem:$0x270];
	v10 =	vsub.f32 v2, v10;
	v11 =	vsub.f32 v1, v11  }
0xe7: {  	v26 =	vld [tilespmem:$0x160];
	v27 =	vsub.f32 v0, v12;
	v31 =	vsub.f32 v1, v24  }
0xe8: {  	v30 =	vld [tilespmem:$0x190];
	v32 =	vsub.f32 v2, v13;
	v35 =	vsub.f32 v1, v28  }
0xe9: {  	v56 =	vld [tilespmem:$0x200];
	v36 =	vsub.f32 v2, v14;
	v3 =	vmul.f32 v3, v3;
	v4 =	vmul.f32 v4, v4  }
0xea: {  	v15 =	vld [tilespmem:$0x2A0];
	v40 =	vsub.f32 v0, v37;
	v18 =	vmul.f32 v5, v5;
	v6 =	vmul.f32 v6, v6  }
0xeb: {  	v20 =	vld [tilespmem:$0x120];
	v12 =	vsub.f32 v2, v17;
	v7 =	vmul.f32 v7, v7;
	v21 =	vmul.f32 v8, v8  }
0xec: {  	v34 =	vld [tilespmem:$0x1B0];
	v5 =	vsub.f32 v0, v19;
	v22 =	vmul.f32 v9, v9;
	v23 =	vmul.f32 v10, v10  }
0xed: {  	v58 =	vld [tilespmem:$0x210];
	v11 =	vmul.f32 v11, v11;
	v29 =	vmul.f32 v27, v27;
	v8 =	vsub.f32 v0, v26  }
0xee: {  	v10 =	vmul.f32 v32, v32;
	v9 =	vsub.f32 v0, v30;
	v38 =	vmul.f32 v36, v36  }
0xef: {  	v44 =	vmul.f32 v40, v40;
	v19 =	vsub.f32 v1, v56;
	v27 =	vld [tilespmem:$0x2D0];
	v30 =	vsub.f32 v2, v15  }
0xf0: {  	v12 =	vmul.f32 v12, v12;
	v3 =	vadd.f32 v4, v3;
	v6 =	vadd.f32 v7, v6  }
0xf1: {  	v33 =	vld [tilespmem:$0x1A0];
	v4 =	vsub.f32 v2, v20;
	v25 =	vadd.f32 v23, v22;
	v5 =	vmul.f32 v5, v5  }
0xf2: {  	v8 =	vmul.f32 v8, v8;
	v7 =	vsub.f32 v2, v34;
	v20 =	vsub.f32 v2, v58;
	v22 =	vld [tilespmem:$0x280]  }
0xf3: {  	v61 =	vld [tilespmem:$0x230];
	v39 =	vmul.f32 v9, v9;
	v3 =	vadd.f32 v18, v3;
	v6 =	vadd.f32 v21, v6  }
0xf4: {  	v23 =	vld [tilespmem:$0x290];
	v4 =	vmul.f32 v4, v4;
	v5 =	vadd.f32 v5, v25;
	v13 =	vsub.f32 v2, v27  }
0xf5: {  	v34 =	vmul.f32 v30, v30;
	v21 =	vld [tilespmem:$0x250];
	v3 =	vsub.f32 $0.0e+00, v3;
	v6 =	vsub.f32 $0.0e+00, v6  }
0xf6: {  	v7 =	vmul.f32 v7, v7;
	v4 =	vadd.f32 v4, v11;
	v5 =	vsub.f32 $0.0e+00, v5  }
0xf7: {  	v11 =	vsub.f32 v1, v33;
	v26 =	vsub.f32 v0, v22;
	v13 =	vmul.f32 v13, v13  }
0xf8: {  	v25 =	vld [tilespmem:$0x2B0];
	v3 =	vmul.f32 $1.442695020e+00, v3;
	v6 =	vmul.f32 $1.442695020e+00, v6;
	v4 =	vadd.f32 v29, v4  }
0xf9: {  	v49 =	vld [tilespmem:$0x1D0];
	v5 =	vmul.f32 $1.442695020e+00, v5;
	v41 =	vmul.f32 v11, v11;
	v11 =	vsub.f32 v1, v61  }
0xfa: {  	v52 =	vld [tilespmem:$0x1E0];
	v29 =	vsub.f32 v1, v23;
	v9 =	vsub.f32 v0, v21;
	(erf) = vpow2.f32 v3  }
0xfb: {  	v62 =	vld [tilespmem:$0x240];
	v3 =	vmul.f32 v31, v31;
	v43 =	vadd.f32 v7, v41;
	v7 =	vmul.f32 v20, v20  }
0xfc: {  	v28 =	vld [tilespmem:$0x2E0];
	v4 =	vsub.f32 $0.0e+00, v4;
	v24 =	vmul.f32 v11, v11;
	v33 =	vmul.f32 v29, v29  }
0xfd: {  	v59 =	vld [tilespmem:$0x220];
	v11 =	vsub.f32 v0, v25;
	(erf) = vpow2.f32 v6;
	v6 =	vmul.f32 v35, v35  }
0xfe: {  	v31 =	vld [tilespmem:$0x2F0];
	v9 =	vmul.f32 v9, v9;
	v3 =	vadd.f32 v10, v3;
	(erf) = vpow2.f32 v5  }
0xff: {  	v41 =	vld [tilespmem:$0x340];
	v4 =	vmul.f32 $1.442695020e+00, v4;
	v46 =	vadd.f32 v44, v43;
	v5 =	vsub.f32 v1, v49  }
0x100: {  	v35 =	vld [tilespmem:$0x310];
	v10 =	vsub.f32 v2, v62;
	v11 =	vmul.f32 v11, v11;
	v6 =	vadd.f32 v38, v6  }
0x101: {  	v16 =	vld [tilespmem:$0x260];
	v38 =	vsub.f32 v0, v28;
	v3 =	vadd.f32 v8, v3;
	(erf) = vpow2.f32 v4  }
0x102: {  	v17 =	vld [tilespmem:$0x320];
	v48 =	vsub.f32 $0.0e+00, v46;
	v4 =	vsub.f32 v2, v52;
	v5 =	vmul.f32 v5, v5  }
0x103: {  	v54 =	vld [tilespmem:$0x1F0];
	v8 =	vsub.f32 v0, v59;
	v10 =	vmul.f32 v10, v10;
	v42 =	vadd.f32 v39, v6  }
0x104: {  	v37 =	vsub.f32 v1, v31;
	v3 =	vsub.f32 $0.0e+00, v3;
	v4 =	vmul.f32 v4, v4  }
0x105: {  	v46 =	vld [tilespmem:$0x370];
	v49 =	vsub.f32 v0, v41;
	v51 =	vmul.f32 $1.442695020e+00, v48;
	v40 =	vsub.f32 v0, v35  }
0x106: {  	v36 =	vld [tilespmem:$0x330];
	v3 =	vmul.f32 $1.442695020e+00, v3;
	v4 =	vadd.f32 v4, v5;
	v5 =	vsub.f32 v1, v16  }
0x107: {  	v8 =	vmul.f32 v8, v8;
	v45 =	vsub.f32 $0.0e+00, v42;
	v42 =	vsub.f32 v1, v17;
	v16 =	vld [tilespmem:$0x2C0];
	v50 =	vpop (erf)  }
0x108: {  	v43 =	vld [tilespmem:$0x350];
	(erf) = vpow2.f32 v3;
	v53 =	vpop (erf);
	v3 =	vsub.f32 v0, v54;
	v5 =	vmul.f32 v5, v5  }
0x109: {  	v47 =	vmul.f32 $1.442695020e+00, v45;
	v15 =	vmul.f32 v42, v42;
	v6 =	vadd.f32 v53, v50  }
0x10a: {  	v0 =	vsub.f32 v0, v46;
	v55 =	vpop (erf);
	v3 =	vmul.f32 v3, v3;
	v5 =	vadd.f32 v12, v5  }
0x10b: {  	(erf) = vpow2.f32 v47;
	v12 =	vsub.f32 v2, v36;
	v6 =	vadd.f32 v55, v6  }
0x10c: {  	v32 =	vld [tilespmem:$0x300];
	(erf) = vpow2.f32 v51;
	v16 =	vsub.f32 v1, v16;
	v3 =	vadd.f32 v3, v4  }
0x10d: {  	v45 =	vld [tilespmem:$0x360];
	v57 =	vpop (erf);
	v1 =	vsub.f32 v1, v43;
	v4 =	vmul.f32 v19, v19;
	v12 =	vmul.f32 v12, v12  }
0x10e: {  	v6 =	vadd.f32 v57, v6;
	v16 =	vmul.f32 v16, v16;
	v3 =	vsub.f32 $0.0e+00, v3  }
0x10f: {  	v44 =	vmul.f32 v40, v40;
	v4 =	vadd.f32 v7, v4;
	v7 =	vadd.f32 v10, v24  }
0x110: {  	v51 =	vmul.f32 v49, v49;
	v47 =	vadd.f32 v12, v15;
	v39 =	vadd.f32 v13, v16  }
0x111: {  	v4 =	vadd.f32 v8, v4;
	v8 =	vmul.f32 v26, v26;
	v7 =	vadd.f32 v9, v7  }
0x112: {  	v3 =	vmul.f32 $1.442695020e+00, v3;
	v9 =	vsub.f32 v2, v32;
	v2 =	vsub.f32 v2, v45  }
0x113: {  	v1 =	vmul.f32 v1, v1;
	v52 =	vadd.f32 v51, v47;
	v60 =	vpop (erf);
	v4 =	vsub.f32 $0.0e+00, v4  }
0x114: {  	v63 =	vpop (erf);
	v5 =	vadd.f32 v8, v5;
	v7 =	vsub.f32 $0.0e+00, v7;
	(erf) = vpow2.f32 v3  }
0x115: {  	v8 =	vadd.f32 v34, v33;
	v3 =	vmul.f32 v37, v37;
	v4 =	vmul.f32 $1.442695020e+00, v4  }
0x116: {  	v9 =	vmul.f32 v9, v9;
	v5 =	vsub.f32 $0.0e+00, v5;
	v7 =	vmul.f32 $1.442695020e+00, v7  }
0x117: {  	v18 =	vpop (erf);
	v8 =	vadd.f32 v11, v8;
	(erf) = vpow2.f32 v4;
	v4 =	vmul.f32 v38, v38  }
0x118: {  	v6 =	vadd.f32 v60, v6;
	v3 =	vadd.f32 v9, v3;
	v5 =	vmul.f32 $1.442695020e+00, v5  }
0x119: {  	v48 =	vsub.f32 $0.0e+00, v8;
	(erf) = vpow2.f32 v7;
	v4 =	vadd.f32 v4, v39  }
0x11a: {  	v2 =	vmul.f32 v2, v2;
	v6 =	vadd.f32 v63, v6;
	v3 =	vadd.f32 v44, v3  }
0x11b: {  	(erf) = vpow2.f32 v5;
	v50 =	vmul.f32 $1.442695020e+00, v48;
	v4 =	vsub.f32 $0.0e+00, v4  }
0x11c: {  	v0 =	vmul.f32 v0, v0;
	v1 =	vadd.f32 v2, v1;
	v6 =	vadd.f32 v18, v6  }
0x11d: {  	v3 =	vsub.f32 $0.0e+00, v3;
	(erf) = vpow2.f32 v50;
	v4 =	vmul.f32 $1.442695020e+00, v4  }
0x11e: {  	v0 =	vadd.f32 v0, v1;
	v5 =	vsub.f32 $0.0e+00, v52;
	v53 =	vpop (erf)  }
0x11f: {  	v3 =	vmul.f32 $1.442695020e+00, v3;
	v2 =	vadd.f32 v53, v6;
	(erf) = vpow2.f32 v4  }
0x120: {  	v0 =	vsub.f32 $0.0e+00, v0;
	v54 =	vpop (erf)  }
0x121: {  	v56 =	vmul.f32 $1.442695020e+00, v5;
	(erf) = vpow2.f32 v3;
	v55 =	vadd.f32 v54, v2  }
0x122: {  	v57 =	vpop (erf)  }
0x123: {  	v0 =	vmul.f32 $1.442695020e+00, v0;
	(erf) = vpow2.f32 v56;
	v1 =	vadd.f32 v57, v55  }
0x124: {  	v58 =	vpop (erf)  }
0x125: {  	(erf) = vpow2.f32 v0;
	v1 =	vadd.f32 v58, v1  }
0x126: {  	v59 =	vpop (erf)  }
0x127: {  	v0 =	vadd.f32 v59, v1  }
0x128: {  	v60 =	vpop (erf)  }
0x129: {  	v0 =	vadd.f32 v60, v0  }
0x12a: {  	v61 =	vpop (erf)  }
0x12b: {  	v0 =	vadd.f32 v61, v0  }
0x12c: {  	v62 =	vpop (erf)  }
0x12d: {  	v0 =	vadd.f32 v62, v0  }
0x12e: {  	v63 =	vpop (erf)  }
0x12f: {  	v0 =	vadd.f32 v63, v0;
	_ =	sdelay $0x1  }
0x130: {  	v0 =	vmul.f32 $7.812500000e-03, v0  }
0x131: {  	s2 =	sadd.s32 s5, s2  }
0x132: {  	s2 =	sadd.s32 $0x80, s2;
	[tilespmem:$0x380] =	vst v0  }
0x133: {  	[hbm4b:s2+s3] =	stream.linear.scatter [tilespmem:s6], [sflag:$0x2], $0x10, $0x38;
	[tilespmem:$0x400] =	vst v63  }
0x134: {  	_ =	swait.ge [sflag:s7], $0x10  }
0x135: {  	[sflag:s7] =	ssyncset.done $0x0  }
0x136: {  	[sflag:s7] =	ssyncadd.s32 $0xFFFFFFF0  }
.LBB2_2:
0x137: {  	_ =	sfence.sel $0x180000  }
0x138: {  	[bflag:$0x0] =	sbarrier.arrive $0xFFFF  }
0x139: {  	p0 =	sne.s32 s0, $0x0;
	_ =	strace $0x90000047  }
0x13a: {  	s0 =	sadd.s32 @!p0 $0x100000, s1;
	[bflag:$0x2] =	sbarrier.arrive $0xFFFF  }
0x13b: {  	[sflag:s0] =	ssyncadd.tile.s32 @!p0 $0x1;
	_ =	shalt  }
.Lfunc_end2:
_tile_overlayer_lowered:
.L_overlay_start_2:
0x13c: {  	(tag) =	ssettag $0x2  }
0x13d: {  	s0 =	rddreg [dreg:$0x0];
	s2 =	stileid.u32  }
0x13e: {  	s1 =	rddreg [dreg:$0x1];
	p0 =	sne.s32 s2, $0x0  }
0x13f: {  	s3 =	rddreg [dreg:$0x2];
	[bflag:$0x3] =	sbarrier.arrive $0xFFFF;
	s2 =	simm.s32 @!p0 $0x1C02  }
0x140: {  	[timem:s3], [sflag:s2] =	dma.local @!p0 [hbm:s0], s1  }
0x141: {  	s0 =	simm.s32 @!p0 $0x2  }
0x142: {  	_ =	swait.ge @!p0 [sflag:s0], s1  }
0x143: {  	s1 =	ssub.s32 @!p0 $0x0, s1;
	[sflag:s0] =	ssyncset.done @!p0 $0x0  }
0x144: {  	[sflag:s0] =	ssyncadd.s32 @!p0 s1  }
0x145: {  	[bflag:$0x3] =	sbarrier.arrive $0xFFFF  }
0x146: {  	_ =	shalt  }

</sc_bundles>
